<compile_context>
chip_gen: v7x
topology: tpu7x:2x2x1
jax: 0.10.2.dev20260603
libtpu: 0.0.44.dev20260713+nightly
codegen_flags: <defaults>
</compile_context>

<pallas_src>
import functools

import jax
import jax.numpy as jnp
from jax import lax
from jax.experimental import pallas as pl
from jax.experimental.pallas import tpu as pltpu
from jax.experimental.pallas import tpu_sc as plsc

_N, _D, _M, _K = 65536, 128, 8, 256
_DSUB = _D // _M
_BN = 4096
_NW = 32
_B = _N * _M
_BPW = _B // _NW
_CH = 2048


def _tree_max_argmax(s, idx):
    half = s.shape[0] // 2
    while half >= 1:
        a, b = s[:half, :], s[half:, :]
        ia, ib = idx[:half, :], idx[half:, :]
        c = b > a
        s = jnp.where(c, b, a)
        idx = jnp.where(c, ib, ia)
        half //= 2
    return s, idx


def _dist_body(x_ref, cb_ref, ones_ref, codes_ref, psq_ref, wt_ref, c2h_ref):
    @pl.when(pl.program_id(0) == 0)
    def _():
        wt_ref[...] = jnp.zeros((_M * _K, _D), jnp.float32)
        for m in range(_M):
            wt_ref[m * _K:(m + 1) * _K, m * _DSUB:(m + 1) * _DSUB] = cb_ref[m]
        wt = wt_ref[...]
        c2h_ref[...] = 0.5 * jnp.sum(wt * wt, axis=1, keepdims=True)

    xb = x_ref[...]
    wt = wt_ref[...]
    dn = (((1,), (1,)), ((), ()))
    ipt = lax.dot_general(wt, xb, dn,
                          preferred_element_type=jnp.float32)
    h = ipt - c2h_ref[...]
    xb2 = xb * xb
    rn2 = lax.dot_general(ones_ref[...], xb2, dn,
                          preferred_element_type=jnp.float32)
    hsum = jnp.zeros_like(rn2)
    iota = lax.broadcasted_iota(jnp.int32, (_K, h.shape[1]), 0)
    rows = []
    for m in range(_M):
        hm = h[m * _K:(m + 1) * _K, :]
        hmax, hidx = _tree_max_argmax(hm, iota)
        hsum = hsum + hmax
        rows.append(hidx + (m * _K))
    codes_ref[...] = jnp.concatenate(rows, axis=0)
    psq_ref[...] = rn2 - 2.0 * hsum


def _loss_body(psq_ref, loss_ref):
    psq = psq_ref[...]
    mean_sq = jnp.sum(psq) / (_N * _D)
    loss_ref[...] = jnp.sqrt(jnp.maximum(psq, 0.0)) + mean_sq


@functools.cache
def _make_sc_gather():
    mesh = plsc.VectorSubcoreMesh(core_axis_name="c", subcore_axis_name="s")

    nchunks = _BPW // _CH
    nrows = _N // _NW

    @functools.partial(
        pl.kernel,
        mesh=mesh,
        out_type=jax.ShapeDtypeStruct((_B, _DSUB), jnp.float32),
        scratch_types=[
            pltpu.VMEM((_M, nrows), jnp.int32),
            pltpu.VMEM((_BPW,), jnp.int32),
            pltpu.VMEM((2, _CH, _DSUB), jnp.float32),
            pltpu.SemaphoreType.DMA,
            pltpu.SemaphoreType.DMA,
            pltpu.SemaphoreType.DMA,
            pltpu.SemaphoreType.DMA,
            pltpu.SemaphoreType.DMA,
        ],
        compiler_params=pltpu.CompilerParams(
            use_tc_tiling_on_sc=False, needs_layout_passes=False),
    )
    def _sc_gather(table_hbm, idx_hbm, out_hbm, idx2_v, idx_v, rows_v,
                   si, sg0, sg1, so0, so1):
        sg, so = (sg0, sg1), (so0, so1)
        wid = lax.axis_index("s") * 2 + lax.axis_index("c")
        base = wid * _BPW

        pltpu.async_copy(
            idx_hbm.at[:, pl.ds(wid * nrows, nrows)], idx2_v, si).wait()
        r_idx = lax.rem(lax.iota(jnp.int32, 16), 8)
        c_pat = lax.div(lax.iota(jnp.int32, 16), 8)

        def interleave(i, _):
            o = i * 16
            vals = plsc.load_gather(idx2_v, [r_idx, c_pat + o // 8])
            idx_v[pl.ds(o, 16)] = vals
            return 0

        lax.fori_loop(0, _BPW // 16, interleave, 0)

        def gather(j, p):
            return pltpu.async_copy(
                table_hbm.at[idx_v.at[pl.ds(j * _CH, _CH)]],
                rows_v.at[p], sg[p])

        def scatter(j, p):
            return pltpu.async_copy(
                rows_v.at[p], out_hbm.at[pl.ds(base + j * _CH, _CH)], so[p])

        gh = [None, None]
        oh = [None, None]
        for j in range(nchunks):
            p = j % 2
            if oh[p] is not None:
                oh[p].wait()
            gh[p] = gather(j, p)
            if j > 0:
                q = 1 - p
                gh[q].wait()
                oh[q] = scatter(j - 1, q)
        last = (nchunks - 1) % 2
        gh[last].wait()
        oh[last] = scatter(nchunks - 1, last)
        if oh[1 - last] is not None:
            oh[1 - last].wait()
        oh[last].wait()

    return _sc_gather


def kernel(x, codebooks):
    ones = jnp.ones((1, _D), dtype=jnp.float32)

    codes_fl, psq_t = pl.pallas_call(
        _dist_body,
        grid=(_N // _BN,),
        in_specs=[
            pl.BlockSpec((_BN, _D), lambda i: (i, 0)),
            pl.BlockSpec((_M, _K, _DSUB), lambda i: (0, 0, 0)),
            pl.BlockSpec((1, _D), lambda i: (0, 0)),
        ],
        out_specs=[
            pl.BlockSpec((_M, _BN), lambda i: (0, i)),
            pl.BlockSpec((1, _BN), lambda i: (0, i)),
        ],
        out_shape=[
            jax.ShapeDtypeStruct((_M, _N), jnp.int32),
            jax.ShapeDtypeStruct((1, _N), jnp.float32),
        ],
        scratch_shapes=[
            pltpu.VMEM((_M * _K, _D), jnp.float32),
            pltpu.VMEM((_M * _K, 1), jnp.float32),
        ],
    )(x, codebooks, ones)

    table = codebooks.reshape(_M * _K, _DSUB)
    recon_rows = _make_sc_gather()(table, codes_fl)

    loss2d = pl.pallas_call(
        _loss_body,
        out_shape=jax.ShapeDtypeStruct((_N // 128, 128), jnp.float32),
    )(psq_t.reshape(_N // 128, 128))

    return recon_rows.reshape(_N, _D), loss2d.reshape(_N)

# --- scband reference (transcript-rebuilt; emitter-appended) ---
"""Pipeline reference for scband-pdt-76699525972198 (READ-ONLY COPY).

The authoritative reference and input builder live on the scoring server;
editing this copy changes nothing except your own understanding.
"""

import jax, jax.numpy as jnp
import numpy as np

N, D, M, K = 65536, 128, 8, 256
DSUB = D // M


def setup_inputs(seed: int = 0) -> dict:
    key = jax.random.key(seed)
    k1, k2 = jax.random.split(key)
    x = jax.random.normal(k1, (N, D), dtype=jnp.float32)
    # learned parameter: M sub-codebooks of K codes each (DPQ / deep product quantizer)
    codebooks = jax.random.normal(k2, (M, K, DSUB), dtype=jnp.float32) * 0.1
    return {"x": x, "codebooks": codebooks}


def _pq_reconstruct(x, codebooks):
    # trans_type='no' -> DefaultTransLayer is identity, so encode(x) == x
    n = x.shape[0]
    xs = x.reshape(n, M, DSUB)
    recons = []
    for m in range(M):
        xm = xs[:, m, :]                                  # [N, dsub]
        cb = codebooks[m]                                 # [K, dsub]
        d2 = (jnp.sum(xm * xm, axis=1, keepdims=True)
              - 2.0 * (xm @ cb.T)
              + jnp.sum(cb * cb, axis=1)[None, :])        # [N, K] squared L2 dists
        codes = jnp.argmin(d2, axis=1)                    # [N] hard assignment
        recons.append(jnp.take(cb, codes, axis=0))        # SparseCore gather -> [N, dsub]
    return jnp.concatenate(recons, axis=1)                # [N, D]


def reference(x, codebooks):
    # PDT.inference(x): encode (identity) -> vq -> decode (identity) -> loss
    x_recon = _pq_reconstruct(x, codebooks)
    per_vec = jnp.linalg.norm(x_recon - x, ord=2, axis=-1)        # torch.norm(x_recon - x, 2, dim=-1)
    dist_loss = jnp.mean((x_recon - x) ** 2)                      # distance_loss (undefined helper; MSE stand-in)
    loss = per_vec + dist_loss
    return (x_recon, loss)

if __name__ == "__main__":
    import jax
    _d = setup_inputs()
    print(jax.jit(kernel)(*tuple(_d.values())))

</pallas_src>

<mosaic_0001>
#map = affine_map<(d0, d1) -> (0, 0)>
module attributes {stable_mosaic.version = 14 : i64} {
  func.func @_sc_gather(%arg0: i32, %arg1: i32, %arg2: memref<2048x16xf32, #tpu.memory_space<hbm>>, %arg3: memref<8x65536xi32, #tpu.memory_space<hbm>>, %arg4: memref<524288x16xf32, #tpu.memory_space<hbm>>, %arg5: memref<8x2048xi32, #tpu.memory_space<vmem>>, %arg6: memref<16384xi32, #tpu.memory_space<vmem>>, %arg7: memref<2x2048x16xf32, #tpu.memory_space<vmem>>, %arg8: memref<!tpu.dma_semaphore, #tpu.memory_space<semaphore_mem>>, %arg9: memref<!tpu.dma_semaphore, #tpu.memory_space<semaphore_mem>>, %arg10: memref<!tpu.dma_semaphore, #tpu.memory_space<semaphore_mem>>, %arg11: memref<!tpu.dma_semaphore, #tpu.memory_space<semaphore_mem>>, %arg12: memref<!tpu.dma_semaphore, #tpu.memory_space<semaphore_mem>>) attributes {dimension_semantics = [#tpu.dimension_semantics<core_parallel>, #tpu.dimension_semantics<subcore_parallel>], iteration_bounds = array<i64: 2, 16>, scalar_prefetch = 0 : i64, scratch_operands = 8 : i64, tpu.core_type = #tpu.core_type<sc_vector_subcore>, window_params = [{transform_indices = #map}, {transform_indices = #map}, {transform_indices = #map}]} {
    %mul3A = arith.constant 2 : i32
    %mul3A_0 = arith.muli %arg1, %mul3A : i32
    %add3A = arith.addi %mul3A_0, %arg0 : i32
    %mul3A_1 = arith.constant 16384 : i32
    %mul3A_2 = arith.muli %add3A, %mul3A_1 : i32
    %mul3A_3 = arith.constant 2048 : i32
    %mul3A_4 = arith.muli %add3A, %mul3A_3 : i32
    %dma_start3A = arith.constant 0 : i32
    %dma_start3A_5 = tpu.memref_slice %arg3[%dma_start3A, %mul3A_4] : memref<8x65536xi32, #tpu.memory_space<hbm>> -> memref<8x2048xi32, #tpu.memory_space<hbm>>
    %dma_start3A_6 = arith.constant 0 : i32
    %dma_start3A_7 = tpu.memref_slice %arg3[%dma_start3A_6, %mul3A_4] : memref<8x65536xi32, #tpu.memory_space<hbm>> -> memref<8x2048xi32, #tpu.memory_space<hbm>>
    tpu.enqueue_dma source(%dma_start3A_7 : memref<8x2048xi32, #tpu.memory_space<hbm>>) target(%arg5 : memref<8x2048xi32, #tpu.memory_space<vmem>>) target_semaphore(%arg8 : memref<!tpu.dma_semaphore, #tpu.memory_space<semaphore_mem>>)
    %dma_wait3A = arith.constant 0 : i32
    %dma_wait3A_8 = tpu.memref_slice %arg3[%dma_wait3A, %mul3A_4] : memref<8x65536xi32, #tpu.memory_space<hbm>> -> memref<8x2048xi32, #tpu.memory_space<hbm>>
    %dma_wait3A_9 = arith.constant 0 : i32
    %dma_wait3A_10 = tpu.memref_slice %arg3[%dma_wait3A_9, %mul3A_4] : memref<8x65536xi32, #tpu.memory_space<hbm>> -> memref<8x2048xi32, #tpu.memory_space<hbm>>
    tpu.wait_dma2 semaphore(%arg8 : memref<!tpu.dma_semaphore, #tpu.memory_space<semaphore_mem>>) src(%dma_wait3A_10 : memref<8x2048xi32, #tpu.memory_space<hbm>>) dst(%arg5 : memref<8x2048xi32, #tpu.memory_space<vmem>>)
    %iota3A = tpu.iota {dimensions = array<i32: 0>} : vector<16xi32>
    %rem3A = arith.constant 8 : i32
    %rem3A_11 = vector.broadcast %rem3A : i32 to vector<16xi32>
    %rem3A_12 = arith.remsi %iota3A, %rem3A_11 : vector<16xi32>
    %iota3A_13 = tpu.iota {dimensions = array<i32: 0>} : vector<16xi32>
    %div3A = arith.constant 8 : i32
    %div3A_14 = vector.broadcast %div3A : i32 to vector<16xi32>
    %div3A_15 = arith.divsi %iota3A_13, %div3A_14 : vector<16xi32>
    %scan3A = arith.constant 0 : i32
    %scan3A_16 = arith.constant 0 : i32
    %scan3A_17 = arith.constant 1024 : i32
    %scan3A_18 = arith.addi %scan3A_16, %scan3A_17 : i32
    %scan3A_19 = arith.constant 1 : i32
    %scan3A_20 = scf.for %scan3A_406 = %scan3A_16 to %scan3A_18 step %scan3A_19 iter_args(%scan3A_407 = %scan3A) -> (i32)  : i32 {
      %mul3A_408 = arith.constant 16 : i32
      %mul3A_409 = arith.muli %scan3A_406, %mul3A_408 : i32
      %jit3A = arith.constant 8 : i32
      %div3A_410 = arith.divsi %mul3A_409, %jit3A : i32
      %sign3A = arith.constant 0 : i32
      %sign3A_411 = arith.cmpi sgt, %mul3A_409, %sign3A : i32
      %sign3A_412 = arith.extui %sign3A_411 : i1 to i32
      %sign3A_413 = arith.constant 0 : i32
      %sign3A_414 = arith.cmpi slt, %mul3A_409, %sign3A_413 : i32
      %sign3A_415 = arith.extui %sign3A_414 : i1 to i32
      %sign3A_416 = arith.subi %sign3A_412, %sign3A_415 : i32
      %sign3A_417 = arith.constant 0 : i32
      %sign3A_418 = arith.cmpi sgt, %jit3A, %sign3A_417 : i32
      %sign3A_419 = arith.extui %sign3A_418 : i1 to i32
      %sign3A_420 = arith.constant 0 : i32
      %sign3A_421 = arith.cmpi slt, %jit3A, %sign3A_420 : i32
      %sign3A_422 = arith.extui %sign3A_421 : i1 to i32
      %sign3A_423 = arith.subi %sign3A_419, %sign3A_422 : i32
      %ne3A = arith.cmpi ne, %sign3A_416, %sign3A_423 : i32
      %rem3A_424 = arith.remsi %mul3A_409, %jit3A : i32
      %ne3A_425 = arith.constant 0 : i32
      %ne3A_426 = arith.cmpi ne, %rem3A_424, %ne3A_425 : i32
      %and3A = arith.andi %ne3A, %ne3A_426 : i1
      %sub3A = arith.constant 1 : i32
      %sub3A_427 = arith.subi %div3A_410, %sub3A : i32
      %select_n3A = arith.select %and3A, %sub3A_427, %div3A_410 : i32
      %add3A_428 = vector.broadcast %select_n3A : i32 to vector<16xi32>
      %add3A_429 = arith.addi %div3A_15, %add3A_428 : vector<16xi32>
      %gather3A = tpu.vector_load_idx %arg5[%rem3A_12, %add3A_429] : memref<8x2048xi32, #tpu.memory_space<vmem>>[vector<16xi32>, vector<16xi32>], vector<16xi32>,
      %swap3A = arith.index_cast %mul3A_409 : i32 to index
      %swap3A_430 = tpu.vector_load %arg6[%swap3A] {strides = array<i32>} : memref<16384xi32, #tpu.memory_space<vmem>>, vector<16xi32>,
      tpu.vector_store %arg6[%swap3A], %gather3A {strides = array<i32>} : memref<16384xi32, #tpu.memory_space<vmem>>, vector<16xi32>,
      %scan3A_431 = arith.constant 0 : i32
      scf.yield %scan3A_431 : i32
    }
    %scan3A_21 = arith.constant 1024 : i32
    %dma_start3A_22 = arith.constant 0 : i32
    %dma_start3A_23 = arith.constant 0 : i32
    %dma_start3A_24 = arith.constant 0 : i32
    %dma_start3A_25 = tpu.memref_slice %arg7[%dma_start3A_22, %dma_start3A_23, %dma_start3A_24] : memref<2x2048x16xf32, #tpu.memory_space<vmem>> -> memref<1x2048x16xf32, #tpu.memory_space<vmem>>
    %dma_start3A_26 = tpu.memref_squeeze %dma_start3A_25 : memref<1x2048x16xf32, #tpu.memory_space<vmem>> -> memref<2048x16xf32, #tpu.memory_space<vmem>>
    %dma_start3A_27 = arith.constant 0 : i32
    %dma_start3A_28 = tpu.memref_slice %arg6[%dma_start3A_27] : memref<16384xi32, #tpu.memory_space<vmem>> -> memref<2048xi32, #tpu.memory_space<vmem>>
    %dma_start3A_29 = arith.constant 0 : i32
    %dma_start3A_30 = arith.constant 0 : i32
    %dma_start3A_31 = tpu.memref_slice %arg2[%dma_start3A_29, %dma_start3A_30] : memref<2048x16xf32, #tpu.memory_space<hbm>> -> memref<2048x16xf32, #tpu.memory_space<hbm>>
    tpu.enqueue_indirect_dma source(%dma_start3A_31 : memref<2048x16xf32, #tpu.memory_space<hbm>>) target(%dma_start3A_26 : memref<2048x16xf32, #tpu.memory_space<vmem>>) offsets(%dma_start3A_28 : memref<2048xi32, #tpu.memory_space<vmem>>) semaphore(%arg9 : memref<!tpu.dma_semaphore, #tpu.memory_space<semaphore_mem>>)
    %dma_start3A_32 = arith.constant 1 : i32
    %dma_start3A_33 = arith.constant 0 : i32
    %dma_start3A_34 = arith.constant 0 : i32
    %dma_start3A_35 = tpu.memref_slice %arg7[%dma_start3A_32, %dma_start3A_33, %dma_start3A_34] : memref<2x2048x16xf32, #tpu.memory_space<vmem>> -> memref<1x2048x16xf32, #tpu.memory_space<vmem>>
    %dma_start3A_36 = tpu.memref_squeeze %dma_start3A_35 : memref<1x2048x16xf32, #tpu.memory_space<vmem>> -> memref<2048x16xf32, #tpu.memory_space<vmem>>
    %dma_start3A_37 = arith.constant 2048 : i32
    %dma_start3A_38 = tpu.memref_slice %arg6[%dma_start3A_37] : memref<16384xi32, #tpu.memory_space<vmem>> -> memref<2048xi32, #tpu.memory_space<vmem>>
    %dma_start3A_39 = arith.constant 0 : i32
    %dma_start3A_40 = arith.constant 0 : i32
    %dma_start3A_41 = tpu.memref_slice %arg2[%dma_start3A_39, %dma_start3A_40] : memref<2048x16xf32, #tpu.memory_space<hbm>> -> memref<2048x16xf32, #tpu.memory_space<hbm>>
    tpu.enqueue_indirect_dma source(%dma_start3A_41 : memref<2048x16xf32, #tpu.memory_space<hbm>>) target(%dma_start3A_36 : memref<2048x16xf32, #tpu.memory_space<vmem>>) offsets(%dma_start3A_38 : memref<2048xi32, #tpu.memory_space<vmem>>) semaphore(%arg10 : memref<!tpu.dma_semaphore, #tpu.memory_space<semaphore_mem>>)
    %dma_wait3A_42 = arith.constant 0 : i32
    %dma_wait3A_43 = arith.constant 0 : i32
    %dma_wait3A_44 = arith.constant 0 : i32
    %dma_wait3A_45 = tpu.memref_slice %arg7[%dma_wait3A_42, %dma_wait3A_43, %dma_wait3A_44] : memref<2x2048x16xf32, #tpu.memory_space<vmem>> -> memref<1x2048x16xf32, #tpu.memory_space<vmem>>
    %dma_wait3A_46 = tpu.memref_squeeze %dma_wait3A_45 : memref<1x2048x16xf32, #tpu.memory_space<vmem>> -> memref<2048x16xf32, #tpu.memory_space<vmem>>
    %dma_wait3A_47 = arith.constant 0 : i32
    %dma_wait3A_48 = tpu.memref_slice %arg6[%dma_wait3A_47] : memref<16384xi32, #tpu.memory_space<vmem>> -> memref<2048xi32, #tpu.memory_space<vmem>>
    %dma_wait3A_49 = arith.constant 0 : i32
    %dma_wait3A_50 = arith.constant 0 : i32
    %dma_wait3A_51 = tpu.memref_slice %arg2[%dma_wait3A_49, %dma_wait3A_50] : memref<2048x16xf32, #tpu.memory_space<hbm>> -> memref<2048x16xf32, #tpu.memory_space<hbm>>
    tpu.wait_indirect_dma semaphore(%arg9 : memref<!tpu.dma_semaphore, #tpu.memory_space<semaphore_mem>>) src(%dma_wait3A_51 : memref<2048x16xf32, #tpu.memory_space<hbm>>) dst(%dma_wait3A_46 : memref<2048x16xf32, #tpu.memory_space<vmem>>)
    %add3A_52 = arith.constant 0 : i32
    %add3A_53 = arith.addi %mul3A_2, %add3A_52 : i32
    %dma_start3A_54 = arith.constant 0 : i32
    %dma_start3A_55 = arith.constant 0 : i32
    %dma_start3A_56 = arith.constant 0 : i32
    %dma_start3A_57 = tpu.memref_slice %arg7[%dma_start3A_54, %dma_start3A_55, %dma_start3A_56] : memref<2x2048x16xf32, #tpu.memory_space<vmem>> -> memref<1x2048x16xf32, #tpu.memory_space<vmem>>
    %dma_start3A_58 = tpu.memref_squeeze %dma_start3A_57 : memref<1x2048x16xf32, #tpu.memory_space<vmem>> -> memref<2048x16xf32, #tpu.memory_space<vmem>>
    %dma_start3A_59 = arith.constant 0 : i32
    %dma_start3A_60 = tpu.memref_slice %arg4[%add3A_53, %dma_start3A_59] : memref<524288x16xf32, #tpu.memory_space<hbm>> -> memref<2048x16xf32, #tpu.memory_space<hbm>>
    %dma_start3A_61 = arith.constant 0 : i32
    %dma_start3A_62 = tpu.memref_slice %arg4[%add3A_53, %dma_start3A_61] : memref<524288x16xf32, #tpu.memory_space<hbm>> -> memref<2048x16xf32, #tpu.memory_space<hbm>>
    %dma_start3A_63 = arith.constant 0 : i32
    %dma_start3A_64 = arith.constant 0 : i32
    %dma_start3A_65 = tpu.memref_slice %arg7[%dma_start3A_54, %dma_start3A_63, %dma_start3A_64] : memref<2x2048x16xf32, #tpu.memory_space<vmem>> -> memref<1x2048x16xf32, #tpu.memory_space<vmem>>
    %dma_start3A_66 = tpu.memref_squeeze %dma_start3A_65 : memref<1x2048x16xf32, #tpu.memory_space<vmem>> -> memref<2048x16xf32, #tpu.memory_space<vmem>>
    tpu.enqueue_dma source(%dma_start3A_66 : memref<2048x16xf32, #tpu.memory_space<vmem>>) target(%dma_start3A_62 : memref<2048x16xf32, #tpu.memory_space<hbm>>) target_semaphore(%arg11 : memref<!tpu.dma_semaphore, #tpu.memory_space<semaphore_mem>>)
    %dma_wait3A_67 = arith.constant 0 : i32
    %dma_wait3A_68 = arith.constant 0 : i32
    %dma_wait3A_69 = arith.constant 0 : i32
    %dma_wait3A_70 = tpu.memref_slice %arg7[%dma_wait3A_67, %dma_wait3A_68, %dma_wait3A_69] : memref<2x2048x16xf32, #tpu.memory_space<vmem>> -> memref<1x2048x16xf32, #tpu.memory_space<vmem>>
    %dma_wait3A_71 = tpu.memref_squeeze %dma_wait3A_70 : memref<1x2048x16xf32, #tpu.memory_space<vmem>> -> memref<2048x16xf32, #tpu.memory_space<vmem>>
    %dma_wait3A_72 = arith.constant 0 : i32
    %dma_wait3A_73 = tpu.memref_slice %arg4[%add3A_53, %dma_wait3A_72] : memref<524288x16xf32, #tpu.memory_space<hbm>> -> memref<2048x16xf32, #tpu.memory_space<hbm>>
    %dma_wait3A_74 = arith.constant 0 : i32
    %dma_wait3A_75 = tpu.memref_slice %arg4[%add3A_53, %dma_wait3A_74] : memref<524288x16xf32, #tpu.memory_space<hbm>> -> memref<2048x16xf32, #tpu.memory_space<hbm>>
    %dma_wait3A_76 = arith.constant 0 : i32
    %dma_wait3A_77 = arith.constant 0 : i32
    %dma_wait3A_78 = tpu.memref_slice %arg7[%dma_wait3A_67, %dma_wait3A_76, %dma_wait3A_77] : memref<2x2048x16xf32, #tpu.memory_space<vmem>> -> memref<1x2048x16xf32, #tpu.memory_space<vmem>>
    %dma_wait3A_79 = tpu.memref_squeeze %dma_wait3A_78 : memref<1x2048x16xf32, #tpu.memory_space<vmem>> -> memref<2048x16xf32, #tpu.memory_space<vmem>>
    tpu.wait_dma2 semaphore(%arg11 : memref<!tpu.dma_semaphore, #tpu.memory_space<semaphore_mem>>) src(%dma_wait3A_79 : memref<2048x16xf32, #tpu.memory_space<vmem>>) dst(%dma_wait3A_75 : memref<2048x16xf32, #tpu.memory_space<hbm>>)
    %dma_start3A_80 = arith.constant 0 : i32
    %dma_start3A_81 = arith.constant 0 : i32
    %dma_start3A_82 = arith.constant 0 : i32
    %dma_start3A_83 = tpu.memref_slice %arg7[%dma_start3A_80, %dma_start3A_81, %dma_start3A_82] : memref<2x2048x16xf32, #tpu.memory_space<vmem>> -> memref<1x2048x16xf32, #tpu.memory_space<vmem>>
    %dma_start3A_84 = tpu.memref_squeeze %dma_start3A_83 : memref<1x2048x16xf32, #tpu.memory_space<vmem>> -> memref<2048x16xf32, #tpu.memory_space<vmem>>
    %dma_start3A_85 = arith.constant 4096 : i32
    %dma_start3A_86 = tpu.memref_slice %arg6[%dma_start3A_85] : memref<16384xi32, #tpu.memory_space<vmem>> -> memref<2048xi32, #tpu.memory_space<vmem>>
    %dma_start3A_87 = arith.constant 0 : i32
    %dma_start3A_88 = arith.constant 0 : i32
    %dma_start3A_89 = tpu.memref_slice %arg2[%dma_start3A_87, %dma_start3A_88] : memref<2048x16xf32, #tpu.memory_space<hbm>> -> memref<2048x16xf32, #tpu.memory_space<hbm>>
    tpu.enqueue_indirect_dma source(%dma_start3A_89 : memref<2048x16xf32, #tpu.memory_space<hbm>>) target(%dma_start3A_84 : memref<2048x16xf32, #tpu.memory_space<vmem>>) offsets(%dma_start3A_86 : memref<2048xi32, #tpu.memory_space<vmem>>) semaphore(%arg9 : memref<!tpu.dma_semaphore, #tpu.memory_space<semaphore_mem>>)
    %dma_wait3A_90 = arith.constant 1 : i32
    %dma_wait3A_91 = arith.constant 0 : i32
    %dma_wait3A_92 = arith.constant 0 : i32
    %dma_wait3A_93 = tpu.memref_slice %arg7[%dma_wait3A_90, %dma_wait3A_91, %dma_wait3A_92] : memref<2x2048x16xf32, #tpu.memory_space<vmem>> -> memref<1x2048x16xf32, #tpu.memory_space<vmem>>
    %dma_wait3A_94 = tpu.memref_squeeze %dma_wait3A_93 : memref<1x2048x16xf32, #tpu.memory_space<vmem>> -> memref<2048x16xf32, #tpu.memory_space<vmem>>
    %dma_wait3A_95 = arith.constant 2048 : i32
    %dma_wait3A_96 = tpu.memref_slice %arg6[%dma_wait3A_95] : memref<16384xi32, #tpu.memory_space<vmem>> -> memref<2048xi32, #tpu.memory_space<vmem>>
    %dma_wait3A_97 = arith.constant 0 : i32
    %dma_wait3A_98 = arith.constant 0 : i32
    %dma_wait3A_99 = tpu.memref_slice %arg2[%dma_wait3A_97, %dma_wait3A_98] : memref<2048x16xf32, #tpu.memory_space<hbm>> -> memref<2048x16xf32, #tpu.memory_space<hbm>>
    tpu.wait_indirect_dma semaphore(%arg10 : memref<!tpu.dma_semaphore, #tpu.memory_space<semaphore_mem>>) src(%dma_wait3A_99 : memref<2048x16xf32, #tpu.memory_space<hbm>>) dst(%dma_wait3A_94 : memref<2048x16xf32, #tpu.memory_space<vmem>>)
    %add3A_100 = arith.constant 2048 : i32
    %add3A_101 = arith.addi %mul3A_2, %add3A_100 : i32
    %dma_start3A_102 = arith.constant 1 : i32
    %dma_start3A_103 = arith.constant 0 : i32
    %dma_start3A_104 = arith.constant 0 : i32
    %dma_start3A_105 = tpu.memref_slice %arg7[%dma_start3A_102, %dma_start3A_103, %dma_start3A_104] : memref<2x2048x16xf32, #tpu.memory_space<vmem>> -> memref<1x2048x16xf32, #tpu.memory_space<vmem>>
    %dma_start3A_106 = tpu.memref_squeeze %dma_start3A_105 : memref<1x2048x16xf32, #tpu.memory_space<vmem>> -> memref<2048x16xf32, #tpu.memory_space<vmem>>
    %dma_start3A_107 = arith.constant 0 : i32
    %dma_start3A_108 = tpu.memref_slice %arg4[%add3A_101, %dma_start3A_107] : memref<524288x16xf32, #tpu.memory_space<hbm>> -> memref<2048x16xf32, #tpu.memory_space<hbm>>
    %dma_start3A_109 = arith.constant 0 : i32
    %dma_start3A_110 = tpu.memref_slice %arg4[%add3A_101, %dma_start3A_109] : memref<524288x16xf32, #tpu.memory_space<hbm>> -> memref<2048x16xf32, #tpu.memory_space<hbm>>
    %dma_start3A_111 = arith.constant 0 : i32
    %dma_start3A_112 = arith.constant 0 : i32
    %dma_start3A_113 = tpu.memref_slice %arg7[%dma_start3A_102, %dma_start3A_111, %dma_start3A_112] : memref<2x2048x16xf32, #tpu.memory_space<vmem>> -> memref<1x2048x16xf32, #tpu.memory_space<vmem>>
    %dma_start3A_114 = tpu.memref_squeeze %dma_start3A_113 : memref<1x2048x16xf32, #tpu.memory_space<vmem>> -> memref<2048x16xf32, #tpu.memory_space<vmem>>
    tpu.enqueue_dma source(%dma_start3A_114 : memref<2048x16xf32, #tpu.memory_space<vmem>>) target(%dma_start3A_110 : memref<2048x16xf32, #tpu.memory_space<hbm>>) target_semaphore(%arg12 : memref<!tpu.dma_semaphore, #tpu.memory_space<semaphore_mem>>)
    %dma_wait3A_115 = arith.constant 1 : i32
    %dma_wait3A_116 = arith.constant 0 : i32
    %dma_wait3A_117 = arith.constant 0 : i32
    %dma_wait3A_118 = tpu.memref_slice %arg7[%dma_wait3A_115, %dma_wait3A_116, %dma_wait3A_117] : memref<2x2048x16xf32, #tpu.memory_space<vmem>> -> memref<1x2048x16xf32, #tpu.memory_space<vmem>>
    %dma_wait3A_119 = tpu.memref_squeeze %dma_wait3A_118 : memref<1x2048x16xf32, #tpu.memory_space<vmem>> -> memref<2048x16xf32, #tpu.memory_space<vmem>>
    %dma_wait3A_120 = arith.constant 0 : i32
    %dma_wait3A_121 = tpu.memref_slice %arg4[%add3A_101, %dma_wait3A_120] : memref<524288x16xf32, #tpu.memory_space<hbm>> -> memref<2048x16xf32, #tpu.memory_space<hbm>>
    %dma_wait3A_122 = arith.constant 0 : i32
    %dma_wait3A_123 = tpu.memref_slice %arg4[%add3A_101, %dma_wait3A_122] : memref<524288x16xf32, #tpu.memory_space<hbm>> -> memref<2048x16xf32, #tpu.memory_space<hbm>>
    %dma_wait3A_124 = arith.constant 0 : i32
    %dma_wait3A_125 = arith.constant 0 : i32
    %dma_wait3A_126 = tpu.memref_slice %arg7[%dma_wait3A_115, %dma_wait3A_124, %dma_wait3A_125] : memref<2x2048x16xf32, #tpu.memory_space<vmem>> -> memref<1x2048x16xf32, #tpu.memory_space<vmem>>
    %dma_wait3A_127 = tpu.memref_squeeze %dma_wait3A_126 : memref<1x2048x16xf32, #tpu.memory_space<vmem>> -> memref<2048x16xf32, #tpu.memory_space<vmem>>
    tpu.wait_dma2 semaphore(%arg12 : memref<!tpu.dma_semaphore, #tpu.memory_space<semaphore_mem>>) src(%dma_wait3A_127 : memref<2048x16xf32, #tpu.memory_space<vmem>>) dst(%dma_wait3A_123 : memref<2048x16xf32, #tpu.memory_space<hbm>>)
    %dma_start3A_128 = arith.constant 1 : i32
    %dma_start3A_129 = arith.constant 0 : i32
    %dma_start3A_130 = arith.constant 0 : i32
    %dma_start3A_131 = tpu.memref_slice %arg7[%dma_start3A_128, %dma_start3A_129, %dma_start3A_130] : memref<2x2048x16xf32, #tpu.memory_space<vmem>> -> memref<1x2048x16xf32, #tpu.memory_space<vmem>>
    %dma_start3A_132 = tpu.memref_squeeze %dma_start3A_131 : memref<1x2048x16xf32, #tpu.memory_space<vmem>> -> memref<2048x16xf32, #tpu.memory_space<vmem>>
    %dma_start3A_133 = arith.constant 6144 : i32
    %dma_start3A_134 = tpu.memref_slice %arg6[%dma_start3A_133] : memref<16384xi32, #tpu.memory_space<vmem>> -> memref<2048xi32, #tpu.memory_space<vmem>>
    %dma_start3A_135 = arith.constant 0 : i32
    %dma_start3A_136 = arith.constant 0 : i32
    %dma_start3A_137 = tpu.memref_slice %arg2[%dma_start3A_135, %dma_start3A_136] : memref<2048x16xf32, #tpu.memory_space<hbm>> -> memref<2048x16xf32, #tpu.memory_space<hbm>>
    tpu.enqueue_indirect_dma source(%dma_start3A_137 : memref<2048x16xf32, #tpu.memory_space<hbm>>) target(%dma_start3A_132 : memref<2048x16xf32, #tpu.memory_space<vmem>>) offsets(%dma_start3A_134 : memref<2048xi32, #tpu.memory_space<vmem>>) semaphore(%arg10 : memref<!tpu.dma_semaphore, #tpu.memory_space<semaphore_mem>>)
    %dma_wait3A_138 = arith.constant 0 : i32
    %dma_wait3A_139 = arith.constant 0 : i32
    %dma_wait3A_140 = arith.constant 0 : i32
    %dma_wait3A_141 = tpu.memref_slice %arg7[%dma_wait3A_138, %dma_wait3A_139, %dma_wait3A_140] : memref<2x2048x16xf32, #tpu.memory_space<vmem>> -> memref<1x2048x16xf32, #tpu.memory_space<vmem>>
    %dma_wait3A_142 = tpu.memref_squeeze %dma_wait3A_141 : memref<1x2048x16xf32, #tpu.memory_space<vmem>> -> memref<2048x16xf32, #tpu.memory_space<vmem>>
    %dma_wait3A_143 = arith.constant 4096 : i32
    %dma_wait3A_144 = tpu.memref_slice %arg6[%dma_wait3A_143] : memref<16384xi32, #tpu.memory_space<vmem>> -> memref<2048xi32, #tpu.memory_space<vmem>>
    %dma_wait3A_145 = arith.constant 0 : i32
    %dma_wait3A_146 = arith.constant 0 : i32
    %dma_wait3A_147 = tpu.memref_slice %arg2[%dma_wait3A_145, %dma_wait3A_146] : memref<2048x16xf32, #tpu.memory_space<hbm>> -> memref<2048x16xf32, #tpu.memory_space<hbm>>
    tpu.wait_indirect_dma semaphore(%arg9 : memref<!tpu.dma_semaphore, #tpu.memory_space<semaphore_mem>>) src(%dma_wait3A_147 : memref<2048x16xf32, #tpu.memory_space<hbm>>) dst(%dma_wait3A_142 : memref<2048x16xf32, #tpu.memory_space<vmem>>)
    %add3A_148 = arith.constant 4096 : i32
    %add3A_149 = arith.addi %mul3A_2, %add3A_148 : i32
    %dma_start3A_150 = arith.constant 0 : i32
    %dma_start3A_151 = arith.constant 0 : i32
    %dma_start3A_152 = arith.constant 0 : i32
    %dma_start3A_153 = tpu.memref_slice %arg7[%dma_start3A_150, %dma_start3A_151, %dma_start3A_152] : memref<2x2048x16xf32, #tpu.memory_space<vmem>> -> memref<1x2048x16xf32, #tpu.memory_space<vmem>>
    %dma_start3A_154 = tpu.memref_squeeze %dma_start3A_153 : memref<1x2048x16xf32, #tpu.memory_space<vmem>> -> memref<2048x16xf32, #tpu.memory_space<vmem>>
    %dma_start3A_155 = arith.constant 0 : i32
    %dma_start3A_156 = tpu.memref_slice %arg4[%add3A_149, %dma_start3A_155] : memref<524288x16xf32, #tpu.memory_space<hbm>> -> memref<2048x16xf32, #tpu.memory_space<hbm>>
    %dma_start3A_157 = arith.constant 0 : i32
    %dma_start3A_158 = tpu.memref_slice %arg4[%add3A_149, %dma_start3A_157] : memref<524288x16xf32, #tpu.memory_space<hbm>> -> memref<2048x16xf32, #tpu.memory_space<hbm>>
    %dma_start3A_159 = arith.constant 0 : i32
    %dma_start3A_160 = arith.constant 0 : i32
    %dma_start3A_161 = tpu.memref_slice %arg7[%dma_start3A_150, %dma_start3A_159, %dma_start3A_160] : memref<2x2048x16xf32, #tpu.memory_space<vmem>> -> memref<1x2048x16xf32, #tpu.memory_space<vmem>>
    %dma_start3A_162 = tpu.memref_squeeze %dma_start3A_161 : memref<1x2048x16xf32, #tpu.memory_space<vmem>> -> memref<2048x16xf32, #tpu.memory_space<vmem>>
    tpu.enqueue_dma source(%dma_start3A_162 : memref<2048x16xf32, #tpu.memory_space<vmem>>) target(%dma_start3A_158 : memref<2048x16xf32, #tpu.memory_space<hbm>>) target_semaphore(%arg11 : memref<!tpu.dma_semaphore, #tpu.memory_space<semaphore_mem>>)
    %dma_wait3A_163 = arith.constant 0 : i32
    %dma_wait3A_164 = arith.constant 0 : i32
    %dma_wait3A_165 = arith.constant 0 : i32
    %dma_wait3A_166 = tpu.memref_slice %arg7[%dma_wait3A_163, %dma_wait3A_164, %dma_wait3A_165] : memref<2x2048x16xf32, #tpu.memory_space<vmem>> -> memref<1x2048x16xf32, #tpu.memory_space<vmem>>
    %dma_wait3A_167 = tpu.memref_squeeze %dma_wait3A_166 : memref<1x2048x16xf32, #tpu.memory_space<vmem>> -> memref<2048x16xf32, #tpu.memory_space<vmem>>
    %dma_wait3A_168 = arith.constant 0 : i32
    %dma_wait3A_169 = tpu.memref_slice %arg4[%add3A_149, %dma_wait3A_168] : memref<524288x16xf32, #tpu.memory_space<hbm>> -> memref<2048x16xf32, #tpu.memory_space<hbm>>
    %dma_wait3A_170 = arith.constant 0 : i32
    %dma_wait3A_171 = tpu.memref_slice %arg4[%add3A_149, %dma_wait3A_170] : memref<524288x16xf32, #tpu.memory_space<hbm>> -> memref<2048x16xf32, #tpu.memory_space<hbm>>
    %dma_wait3A_172 = arith.constant 0 : i32
    %dma_wait3A_173 = arith.constant 0 : i32
    %dma_wait3A_174 = tpu.memref_slice %arg7[%dma_wait3A_163, %dma_wait3A_172, %dma_wait3A_173] : memref<2x2048x16xf32, #tpu.memory_space<vmem>> -> memref<1x2048x16xf32, #tpu.memory_space<vmem>>
    %dma_wait3A_175 = tpu.memref_squeeze %dma_wait3A_174 : memref<1x2048x16xf32, #tpu.memory_space<vmem>> -> memref<2048x16xf32, #tpu.memory_space<vmem>>
    tpu.wait_dma2 semaphore(%arg11 : memref<!tpu.dma_semaphore, #tpu.memory_space<semaphore_mem>>) src(%dma_wait3A_175 : memref<2048x16xf32, #tpu.memory_space<vmem>>) dst(%dma_wait3A_171 : memref<2048x16xf32, #tpu.memory_space<hbm>>)
    %dma_start3A_176 = arith.constant 0 : i32
    %dma_start3A_177 = arith.constant 0 : i32
    %dma_start3A_178 = arith.constant 0 : i32
    %dma_start3A_179 = tpu.memref_slice %arg7[%dma_start3A_176, %dma_start3A_177, %dma_start3A_178] : memref<2x2048x16xf32, #tpu.memory_space<vmem>> -> memref<1x2048x16xf32, #tpu.memory_space<vmem>>
    %dma_start3A_180 = tpu.memref_squeeze %dma_start3A_179 : memref<1x2048x16xf32, #tpu.memory_space<vmem>> -> memref<2048x16xf32, #tpu.memory_space<vmem>>
    %dma_start3A_181 = arith.constant 8192 : i32
    %dma_start3A_182 = tpu.memref_slice %arg6[%dma_start3A_181] : memref<16384xi32, #tpu.memory_space<vmem>> -> memref<2048xi32, #tpu.memory_space<vmem>>
    %dma_start3A_183 = arith.constant 0 : i32
    %dma_start3A_184 = arith.constant 0 : i32
    %dma_start3A_185 = tpu.memref_slice %arg2[%dma_start3A_183, %dma_start3A_184] : memref<2048x16xf32, #tpu.memory_space<hbm>> -> memref<2048x16xf32, #tpu.memory_space<hbm>>
    tpu.enqueue_indirect_dma source(%dma_start3A_185 : memref<2048x16xf32, #tpu.memory_space<hbm>>) target(%dma_start3A_180 : memref<2048x16xf32, #tpu.memory_space<vmem>>) offsets(%dma_start3A_182 : memref<2048xi32, #tpu.memory_space<vmem>>) semaphore(%arg9 : memref<!tpu.dma_semaphore, #tpu.memory_space<semaphore_mem>>)
    %dma_wait3A_186 = arith.constant 1 : i32
    %dma_wait3A_187 = arith.constant 0 : i32
    %dma_wait3A_188 = arith.constant 0 : i32
    %dma_wait3A_189 = tpu.memref_slice %arg7[%dma_wait3A_186, %dma_wait3A_187, %dma_wait3A_188] : memref<2x2048x16xf32, #tpu.memory_space<vmem>> -> memref<1x2048x16xf32, #tpu.memory_space<vmem>>
    %dma_wait3A_190 = tpu.memref_squeeze %dma_wait3A_189 : memref<1x2048x16xf32, #tpu.memory_space<vmem>> -> memref<2048x16xf32, #tpu.memory_space<vmem>>
    %dma_wait3A_191 = arith.constant 6144 : i32
    %dma_wait3A_192 = tpu.memref_slice %arg6[%dma_wait3A_191] : memref<16384xi32, #tpu.memory_space<vmem>> -> memref<2048xi32, #tpu.memory_space<vmem>>
    %dma_wait3A_193 = arith.constant 0 : i32
    %dma_wait3A_194 = arith.constant 0 : i32
    %dma_wait3A_195 = tpu.memref_slice %arg2[%dma_wait3A_193, %dma_wait3A_194] : memref<2048x16xf32, #tpu.memory_space<hbm>> -> memref<2048x16xf32, #tpu.memory_space<hbm>>
    tpu.wait_indirect_dma semaphore(%arg10 : memref<!tpu.dma_semaphore, #tpu.memory_space<semaphore_mem>>) src(%dma_wait3A_195 : memref<2048x16xf32, #tpu.memory_space<hbm>>) dst(%dma_wait3A_190 : memref<2048x16xf32, #tpu.memory_space<vmem>>)
    %add3A_196 = arith.constant 6144 : i32
    %add3A_197 = arith.addi %mul3A_2, %add3A_196 : i32
    %dma_start3A_198 = arith.constant 1 : i32
    %dma_start3A_199 = arith.constant 0 : i32
    %dma_start3A_200 = arith.constant 0 : i32
    %dma_start3A_201 = tpu.memref_slice %arg7[%dma_start3A_198, %dma_start3A_199, %dma_start3A_200] : memref<2x2048x16xf32, #tpu.memory_space<vmem>> -> memref<1x2048x16xf32, #tpu.memory_space<vmem>>
    %dma_start3A_202 = tpu.memref_squeeze %dma_start3A_201 : memref<1x2048x16xf32, #tpu.memory_space<vmem>> -> memref<2048x16xf32, #tpu.memory_space<vmem>>
    %dma_start3A_203 = arith.constant 0 : i32
    %dma_start3A_204 = tpu.memref_slice %arg4[%add3A_197, %dma_start3A_203] : memref<524288x16xf32, #tpu.memory_space<hbm>> -> memref<2048x16xf32, #tpu.memory_space<hbm>>
    %dma_start3A_205 = arith.constant 0 : i32
    %dma_start3A_206 = tpu.memref_slice %arg4[%add3A_197, %dma_start3A_205] : memref<524288x16xf32, #tpu.memory_space<hbm>> -> memref<2048x16xf32, #tpu.memory_space<hbm>>
    %dma_start3A_207 = arith.constant 0 : i32
    %dma_start3A_208 = arith.constant 0 : i32
    %dma_start3A_209 = tpu.memref_slice %arg7[%dma_start3A_198, %dma_start3A_207, %dma_start3A_208] : memref<2x2048x16xf32, #tpu.memory_space<vmem>> -> memref<1x2048x16xf32, #tpu.memory_space<vmem>>
    %dma_start3A_210 = tpu.memref_squeeze %dma_start3A_209 : memref<1x2048x16xf32, #tpu.memory_space<vmem>> -> memref<2048x16xf32, #tpu.memory_space<vmem>>
    tpu.enqueue_dma source(%dma_start3A_210 : memref<2048x16xf32, #tpu.memory_space<vmem>>) target(%dma_start3A_206 : memref<2048x16xf32, #tpu.memory_space<hbm>>) target_semaphore(%arg12 : memref<!tpu.dma_semaphore, #tpu.memory_space<semaphore_mem>>)
    %dma_wait3A_211 = arith.constant 1 : i32
    %dma_wait3A_212 = arith.constant 0 : i32
    %dma_wait3A_213 = arith.constant 0 : i32
    %dma_wait3A_214 = tpu.memref_slice %arg7[%dma_wait3A_211, %dma_wait3A_212, %dma_wait3A_213] : memref<2x2048x16xf32, #tpu.memory_space<vmem>> -> memref<1x2048x16xf32, #tpu.memory_space<vmem>>
    %dma_wait3A_215 = tpu.memref_squeeze %dma_wait3A_214 : memref<1x2048x16xf32, #tpu.memory_space<vmem>> -> memref<2048x16xf32, #tpu.memory_space<vmem>>
    %dma_wait3A_216 = arith.constant 0 : i32
    %dma_wait3A_217 = tpu.memref_slice %arg4[%add3A_197, %dma_wait3A_216] : memref<524288x16xf32, #tpu.memory_space<hbm>> -> memref<2048x16xf32, #tpu.memory_space<hbm>>
    %dma_wait3A_218 = arith.constant 0 : i32
    %dma_wait3A_219 = tpu.memref_slice %arg4[%add3A_197, %dma_wait3A_218] : memref<524288x16xf32, #tpu.memory_space<hbm>> -> memref<2048x16xf32, #tpu.memory_space<hbm>>
    %dma_wait3A_220 = arith.constant 0 : i32
    %dma_wait3A_221 = arith.constant 0 : i32
    %dma_wait3A_222 = tpu.memref_slice %arg7[%dma_wait3A_211, %dma_wait3A_220, %dma_wait3A_221] : memref<2x2048x16xf32, #tpu.memory_space<vmem>> -> memref<1x2048x16xf32, #tpu.memory_space<vmem>>
    %dma_wait3A_223 = tpu.memref_squeeze %dma_wait3A_222 : memref<1x2048x16xf32, #tpu.memory_space<vmem>> -> memref<2048x16xf32, #tpu.memory_space<vmem>>
    tpu.wait_dma2 semaphore(%arg12 : memref<!tpu.dma_semaphore, #tpu.memory_space<semaphore_mem>>) src(%dma_wait3A_223 : memref<2048x16xf32, #tpu.memory_space<vmem>>) dst(%dma_wait3A_219 : memref<2048x16xf32, #tpu.memory_space<hbm>>)
    %dma_start3A_224 = arith.constant 1 : i32
    %dma_start3A_225 = arith.constant 0 : i32
    %dma_start3A_226 = arith.constant 0 : i32
    %dma_start3A_227 = tpu.memref_slice %arg7[%dma_start3A_224, %dma_start3A_225, %dma_start3A_226] : memref<2x2048x16xf32, #tpu.memory_space<vmem>> -> memref<1x2048x16xf32, #tpu.memory_space<vmem>>
    %dma_start3A_228 = tpu.memref_squeeze %dma_start3A_227 : memref<1x2048x16xf32, #tpu.memory_space<vmem>> -> memref<2048x16xf32, #tpu.memory_space<vmem>>
    %dma_start3A_229 = arith.constant 10240 : i32
    %dma_start3A_230 = tpu.memref_slice %arg6[%dma_start3A_229] : memref<16384xi32, #tpu.memory_space<vmem>> -> memref<2048xi32, #tpu.memory_space<vmem>>
    %dma_start3A_231 = arith.constant 0 : i32
    %dma_start3A_232 = arith.constant 0 : i32
    %dma_start3A_233 = tpu.memref_slice %arg2[%dma_start3A_231, %dma_start3A_232] : memref<2048x16xf32, #tpu.memory_space<hbm>> -> memref<2048x16xf32, #tpu.memory_space<hbm>>
    tpu.enqueue_indirect_dma source(%dma_start3A_233 : memref<2048x16xf32, #tpu.memory_space<hbm>>) target(%dma_start3A_228 : memref<2048x16xf32, #tpu.memory_space<vmem>>) offsets(%dma_start3A_230 : memref<2048xi32, #tpu.memory_space<vmem>>) semaphore(%arg10 : memref<!tpu.dma_semaphore, #tpu.memory_space<semaphore_mem>>)
    %dma_wait3A_234 = arith.constant 0 : i32
    %dma_wait3A_235 = arith.constant 0 : i32
    %dma_wait3A_236 = arith.constant 0 : i32
    %dma_wait3A_237 = tpu.memref_slice %arg7[%dma_wait3A_234, %dma_wait3A_235, %dma_wait3A_236] : memref<2x2048x16xf32, #tpu.memory_space<vmem>> -> memref<1x2048x16xf32, #tpu.memory_space<vmem>>
    %dma_wait3A_238 = tpu.memref_squeeze %dma_wait3A_237 : memref<1x2048x16xf32, #tpu.memory_space<vmem>> -> memref<2048x16xf32, #tpu.memory_space<vmem>>
    %dma_wait3A_239 = arith.constant 8192 : i32
    %dma_wait3A_240 = tpu.memref_slice %arg6[%dma_wait3A_239] : memref<16384xi32, #tpu.memory_space<vmem>> -> memref<2048xi32, #tpu.memory_space<vmem>>
    %dma_wait3A_241 = arith.constant 0 : i32
    %dma_wait3A_242 = arith.constant 0 : i32
    %dma_wait3A_243 = tpu.memref_slice %arg2[%dma_wait3A_241, %dma_wait3A_242] : memref<2048x16xf32, #tpu.memory_space<hbm>> -> memref<2048x16xf32, #tpu.memory_space<hbm>>
    tpu.wait_indirect_dma semaphore(%arg9 : memref<!tpu.dma_semaphore, #tpu.memory_space<semaphore_mem>>) src(%dma_wait3A_243 : memref<2048x16xf32, #tpu.memory_space<hbm>>) dst(%dma_wait3A_238 : memref<2048x16xf32, #tpu.memory_space<vmem>>)
    %add3A_244 = arith.constant 8192 : i32
    %add3A_245 = arith.addi %mul3A_2, %add3A_244 : i32
    %dma_start3A_246 = arith.constant 0 : i32
    %dma_start3A_247 = arith.constant 0 : i32
    %dma_start3A_248 = arith.constant 0 : i32
    %dma_start3A_249 = tpu.memref_slice %arg7[%dma_start3A_246, %dma_start3A_247, %dma_start3A_248] : memref<2x2048x16xf32, #tpu.memory_space<vmem>> -> memref<1x2048x16xf32, #tpu.memory_space<vmem>>
    %dma_start3A_250 = tpu.memref_squeeze %dma_start3A_249 : memref<1x2048x16xf32, #tpu.memory_space<vmem>> -> memref<2048x16xf32, #tpu.memory_space<vmem>>
    %dma_start3A_251 = arith.constant 0 : i32
    %dma_start3A_252 = tpu.memref_slice %arg4[%add3A_245, %dma_start3A_251] : memref<524288x16xf32, #tpu.memory_space<hbm>> -> memref<2048x16xf32, #tpu.memory_space<hbm>>
    %dma_start3A_253 = arith.constant 0 : i32
    %dma_start3A_254 = tpu.memref_slice %arg4[%add3A_245, %dma_start3A_253] : memref<524288x16xf32, #tpu.memory_space<hbm>> -> memref<2048x16xf32, #tpu.memory_space<hbm>>
    %dma_start3A_255 = arith.constant 0 : i32
    %dma_start3A_256 = arith.constant 0 : i32
    %dma_start3A_257 = tpu.memref_slice %arg7[%dma_start3A_246, %dma_start3A_255, %dma_start3A_256] : memref<2x2048x16xf32, #tpu.memory_space<vmem>> -> memref<1x2048x16xf32, #tpu.memory_space<vmem>>
    %dma_start3A_258 = tpu.memref_squeeze %dma_start3A_257 : memref<1x2048x16xf32, #tpu.memory_space<vmem>> -> memref<2048x16xf32, #tpu.memory_space<vmem>>
    tpu.enqueue_dma source(%dma_start3A_258 : memref<2048x16xf32, #tpu.memory_space<vmem>>) target(%dma_start3A_254 : memref<2048x16xf32, #tpu.memory_space<hbm>>) target_semaphore(%arg11 : memref<!tpu.dma_semaphore, #tpu.memory_space<semaphore_mem>>)
    %dma_wait3A_259 = arith.constant 0 : i32
    %dma_wait3A_260 = arith.constant 0 : i32
    %dma_wait3A_261 = arith.constant 0 : i32
    %dma_wait3A_262 = tpu.memref_slice %arg7[%dma_wait3A_259, %dma_wait3A_260, %dma_wait3A_261] : memref<2x2048x16xf32, #tpu.memory_space<vmem>> -> memref<1x2048x16xf32, #tpu.memory_space<vmem>>
    %dma_wait3A_263 = tpu.memref_squeeze %dma_wait3A_262 : memref<1x2048x16xf32, #tpu.memory_space<vmem>> -> memref<2048x16xf32, #tpu.memory_space<vmem>>
    %dma_wait3A_264 = arith.constant 0 : i32
    %dma_wait3A_265 = tpu.memref_slice %arg4[%add3A_245, %dma_wait3A_264] : memref<524288x16xf32, #tpu.memory_space<hbm>> -> memref<2048x16xf32, #tpu.memory_space<hbm>>
    %dma_wait3A_266 = arith.constant 0 : i32
    %dma_wait3A_267 = tpu.memref_slice %arg4[%add3A_245, %dma_wait3A_266] : memref<524288x16xf32, #tpu.memory_space<hbm>> -> memref<2048x16xf32, #tpu.memory_space<hbm>>
    %dma_wait3A_268 = arith.constant 0 : i32
    %dma_wait3A_269 = arith.constant 0 : i32
    %dma_wait3A_270 = tpu.memref_slice %arg7[%dma_wait3A_259, %dma_wait3A_268, %dma_wait3A_269] : memref<2x2048x16xf32, #tpu.memory_space<vmem>> -> memref<1x2048x16xf32, #tpu.memory_space<vmem>>
    %dma_wait3A_271 = tpu.memref_squeeze %dma_wait3A_270 : memref<1x2048x16xf32, #tpu.memory_space<vmem>> -> memref<2048x16xf32, #tpu.memory_space<vmem>>
    tpu.wait_dma2 semaphore(%arg11 : memref<!tpu.dma_semaphore, #tpu.memory_space<semaphore_mem>>) src(%dma_wait3A_271 : memref<2048x16xf32, #tpu.memory_space<vmem>>) dst(%dma_wait3A_267 : memref<2048x16xf32, #tpu.memory_space<hbm>>)
    %dma_start3A_272 = arith.constant 0 : i32
    %dma_start3A_273 = arith.constant 0 : i32
    %dma_start3A_274 = arith.constant 0 : i32
    %dma_start3A_275 = tpu.memref_slice %arg7[%dma_start3A_272, %dma_start3A_273, %dma_start3A_274] : memref<2x2048x16xf32, #tpu.memory_space<vmem>> -> memref<1x2048x16xf32, #tpu.memory_space<vmem>>
    %dma_start3A_276 = tpu.memref_squeeze %dma_start3A_275 : memref<1x2048x16xf32, #tpu.memory_space<vmem>> -> memref<2048x16xf32, #tpu.memory_space<vmem>>
    %dma_start3A_277 = arith.constant 12288 : i32
    %dma_start3A_278 = tpu.memref_slice %arg6[%dma_start3A_277] : memref<16384xi32, #tpu.memory_space<vmem>> -> memref<2048xi32, #tpu.memory_space<vmem>>
    %dma_start3A_279 = arith.constant 0 : i32
    %dma_start3A_280 = arith.constant 0 : i32
    %dma_start3A_281 = tpu.memref_slice %arg2[%dma_start3A_279, %dma_start3A_280] : memref<2048x16xf32, #tpu.memory_space<hbm>> -> memref<2048x16xf32, #tpu.memory_space<hbm>>
    tpu.enqueue_indirect_dma source(%dma_start3A_281 : memref<2048x16xf32, #tpu.memory_space<hbm>>) target(%dma_start3A_276 : memref<2048x16xf32, #tpu.memory_space<vmem>>) offsets(%dma_start3A_278 : memref<2048xi32, #tpu.memory_space<vmem>>) semaphore(%arg9 : memref<!tpu.dma_semaphore, #tpu.memory_space<semaphore_mem>>)
    %dma_wait3A_282 = arith.constant 1 : i32
    %dma_wait3A_283 = arith.constant 0 : i32
    %dma_wait3A_284 = arith.constant 0 : i32
    %dma_wait3A_285 = tpu.memref_slice %arg7[%dma_wait3A_282, %dma_wait3A_283, %dma_wait3A_284] : memref<2x2048x16xf32, #tpu.memory_space<vmem>> -> memref<1x2048x16xf32, #tpu.memory_space<vmem>>
    %dma_wait3A_286 = tpu.memref_squeeze %dma_wait3A_285 : memref<1x2048x16xf32, #tpu.memory_space<vmem>> -> memref<2048x16xf32, #tpu.memory_space<vmem>>
    %dma_wait3A_287 = arith.constant 10240 : i32
    %dma_wait3A_288 = tpu.memref_slice %arg6[%dma_wait3A_287] : memref<16384xi32, #tpu.memory_space<vmem>> -> memref<2048xi32, #tpu.memory_space<vmem>>
    %dma_wait3A_289 = arith.constant 0 : i32
    %dma_wait3A_290 = arith.constant 0 : i32
    %dma_wait3A_291 = tpu.memref_slice %arg2[%dma_wait3A_289, %dma_wait3A_290] : memref<2048x16xf32, #tpu.memory_space<hbm>> -> memref<2048x16xf32, #tpu.memory_space<hbm>>
    tpu.wait_indirect_dma semaphore(%arg10 : memref<!tpu.dma_semaphore, #tpu.memory_space<semaphore_mem>>) src(%dma_wait3A_291 : memref<2048x16xf32, #tpu.memory_space<hbm>>) dst(%dma_wait3A_286 : memref<2048x16xf32, #tpu.memory_space<vmem>>)
    %add3A_292 = arith.constant 10240 : i32
    %add3A_293 = arith.addi %mul3A_2, %add3A_292 : i32
    %dma_start3A_294 = arith.constant 1 : i32
    %dma_start3A_295 = arith.constant 0 : i32
    %dma_start3A_296 = arith.constant 0 : i32
    %dma_start3A_297 = tpu.memref_slice %arg7[%dma_start3A_294, %dma_start3A_295, %dma_start3A_296] : memref<2x2048x16xf32, #tpu.memory_space<vmem>> -> memref<1x2048x16xf32, #tpu.memory_space<vmem>>
    %dma_start3A_298 = tpu.memref_squeeze %dma_start3A_297 : memref<1x2048x16xf32, #tpu.memory_space<vmem>> -> memref<2048x16xf32, #tpu.memory_space<vmem>>
    %dma_start3A_299 = arith.constant 0 : i32
    %dma_start3A_300 = tpu.memref_slice %arg4[%add3A_293, %dma_start3A_299] : memref<524288x16xf32, #tpu.memory_space<hbm>> -> memref<2048x16xf32, #tpu.memory_space<hbm>>
    %dma_start3A_301 = arith.constant 0 : i32
    %dma_start3A_302 = tpu.memref_slice %arg4[%add3A_293, %dma_start3A_301] : memref<524288x16xf32, #tpu.memory_space<hbm>> -> memref<2048x16xf32, #tpu.memory_space<hbm>>
    %dma_start3A_303 = arith.constant 0 : i32
    %dma_start3A_304 = arith.constant 0 : i32
    %dma_start3A_305 = tpu.memref_slice %arg7[%dma_start3A_294, %dma_start3A_303, %dma_start3A_304] : memref<2x2048x16xf32, #tpu.memory_space<vmem>> -> memref<1x2048x16xf32, #tpu.memory_space<vmem>>
    %dma_start3A_306 = tpu.memref_squeeze %dma_start3A_305 : memref<1x2048x16xf32, #tpu.memory_space<vmem>> -> memref<2048x16xf32, #tpu.memory_space<vmem>>
    tpu.enqueue_dma source(%dma_start3A_306 : memref<2048x16xf32, #tpu.memory_space<vmem>>) target(%dma_start3A_302 : memref<2048x16xf32, #tpu.memory_space<hbm>>) target_semaphore(%arg12 : memref<!tpu.dma_semaphore, #tpu.memory_space<semaphore_mem>>)
    %dma_wait3A_307 = arith.constant 1 : i32
    %dma_wait3A_308 = arith.constant 0 : i32
    %dma_wait3A_309 = arith.constant 0 : i32
    %dma_wait3A_310 = tpu.memref_slice %arg7[%dma_wait3A_307, %dma_wait3A_308, %dma_wait3A_309] : memref<2x2048x16xf32, #tpu.memory_space<vmem>> -> memref<1x2048x16xf32, #tpu.memory_space<vmem>>
    %dma_wait3A_311 = tpu.memref_squeeze %dma_wait3A_310 : memref<1x2048x16xf32, #tpu.memory_space<vmem>> -> memref<2048x16xf32, #tpu.memory_space<vmem>>
    %dma_wait3A_312 = arith.constant 0 : i32
    %dma_wait3A_313 = tpu.memref_slice %arg4[%add3A_293, %dma_wait3A_312] : memref<524288x16xf32, #tpu.memory_space<hbm>> -> memref<2048x16xf32, #tpu.memory_space<hbm>>
    %dma_wait3A_314 = arith.constant 0 : i32
    %dma_wait3A_315 = tpu.memref_slice %arg4[%add3A_293, %dma_wait3A_314] : memref<524288x16xf32, #tpu.memory_space<hbm>> -> memref<2048x16xf32, #tpu.memory_space<hbm>>
    %dma_wait3A_316 = arith.constant 0 : i32
    %dma_wait3A_317 = arith.constant 0 : i32
    %dma_wait3A_318 = tpu.memref_slice %arg7[%dma_wait3A_307, %dma_wait3A_316, %dma_wait3A_317] : memref<2x2048x16xf32, #tpu.memory_space<vmem>> -> memref<1x2048x16xf32, #tpu.memory_space<vmem>>
    %dma_wait3A_319 = tpu.memref_squeeze %dma_wait3A_318 : memref<1x2048x16xf32, #tpu.memory_space<vmem>> -> memref<2048x16xf32, #tpu.memory_space<vmem>>
    tpu.wait_dma2 semaphore(%arg12 : memref<!tpu.dma_semaphore, #tpu.memory_space<semaphore_mem>>) src(%dma_wait3A_319 : memref<2048x16xf32, #tpu.memory_space<vmem>>) dst(%dma_wait3A_315 : memref<2048x16xf32, #tpu.memory_space<hbm>>)
    %dma_start3A_320 = arith.constant 1 : i32
    %dma_start3A_321 = arith.constant 0 : i32
    %dma_start3A_322 = arith.constant 0 : i32
    %dma_start3A_323 = tpu.memref_slice %arg7[%dma_start3A_320, %dma_start3A_321, %dma_start3A_322] : memref<2x2048x16xf32, #tpu.memory_space<vmem>> -> memref<1x2048x16xf32, #tpu.memory_space<vmem>>
    %dma_start3A_324 = tpu.memref_squeeze %dma_start3A_323 : memref<1x2048x16xf32, #tpu.memory_space<vmem>> -> memref<2048x16xf32, #tpu.memory_space<vmem>>
    %dma_start3A_325 = arith.constant 14336 : i32
    %dma_start3A_326 = tpu.memref_slice %arg6[%dma_start3A_325] : memref<16384xi32, #tpu.memory_space<vmem>> -> memref<2048xi32, #tpu.memory_space<vmem>>
    %dma_start3A_327 = arith.constant 0 : i32
    %dma_start3A_328 = arith.constant 0 : i32
    %dma_start3A_329 = tpu.memref_slice %arg2[%dma_start3A_327, %dma_start3A_328] : memref<2048x16xf32, #tpu.memory_space<hbm>> -> memref<2048x16xf32, #tpu.memory_space<hbm>>
    tpu.enqueue_indirect_dma source(%dma_start3A_329 : memref<2048x16xf32, #tpu.memory_space<hbm>>) target(%dma_start3A_324 : memref<2048x16xf32, #tpu.memory_space<vmem>>) offsets(%dma_start3A_326 : memref<2048xi32, #tpu.memory_space<vmem>>) semaphore(%arg10 : memref<!tpu.dma_semaphore, #tpu.memory_space<semaphore_mem>>)
    %dma_wait3A_330 = arith.constant 0 : i32
    %dma_wait3A_331 = arith.constant 0 : i32
    %dma_wait3A_332 = arith.constant 0 : i32
    %dma_wait3A_333 = tpu.memref_slice %arg7[%dma_wait3A_330, %dma_wait3A_331, %dma_wait3A_332] : memref<2x2048x16xf32, #tpu.memory_space<vmem>> -> memref<1x2048x16xf32, #tpu.memory_space<vmem>>
    %dma_wait3A_334 = tpu.memref_squeeze %dma_wait3A_333 : memref<1x2048x16xf32, #tpu.memory_space<vmem>> -> memref<2048x16xf32, #tpu.memory_space<vmem>>
    %dma_wait3A_335 = arith.constant 12288 : i32
    %dma_wait3A_336 = tpu.memref_slice %arg6[%dma_wait3A_335] : memref<16384xi32, #tpu.memory_space<vmem>> -> memref<2048xi32, #tpu.memory_space<vmem>>
    %dma_wait3A_337 = arith.constant 0 : i32
    %dma_wait3A_338 = arith.constant 0 : i32
    %dma_wait3A_339 = tpu.memref_slice %arg2[%dma_wait3A_337, %dma_wait3A_338] : memref<2048x16xf32, #tpu.memory_space<hbm>> -> memref<2048x16xf32, #tpu.memory_space<hbm>>
    tpu.wait_indirect_dma semaphore(%arg9 : memref<!tpu.dma_semaphore, #tpu.memory_space<semaphore_mem>>) src(%dma_wait3A_339 : memref<2048x16xf32, #tpu.memory_space<hbm>>) dst(%dma_wait3A_334 : memref<2048x16xf32, #tpu.memory_space<vmem>>)
    %add3A_340 = arith.constant 12288 : i32
    %add3A_341 = arith.addi %mul3A_2, %add3A_340 : i32
    %dma_start3A_342 = arith.constant 0 : i32
    %dma_start3A_343 = arith.constant 0 : i32
    %dma_start3A_344 = arith.constant 0 : i32
    %dma_start3A_345 = tpu.memref_slice %arg7[%dma_start3A_342, %dma_start3A_343, %dma_start3A_344] : memref<2x2048x16xf32, #tpu.memory_space<vmem>> -> memref<1x2048x16xf32, #tpu.memory_space<vmem>>
    %dma_start3A_346 = tpu.memref_squeeze %dma_start3A_345 : memref<1x2048x16xf32, #tpu.memory_space<vmem>> -> memref<2048x16xf32, #tpu.memory_space<vmem>>
    %dma_start3A_347 = arith.constant 0 : i32
    %dma_start3A_348 = tpu.memref_slice %arg4[%add3A_341, %dma_start3A_347] : memref<524288x16xf32, #tpu.memory_space<hbm>> -> memref<2048x16xf32, #tpu.memory_space<hbm>>
    %dma_start3A_349 = arith.constant 0 : i32
    %dma_start3A_350 = tpu.memref_slice %arg4[%add3A_341, %dma_start3A_349] : memref<524288x16xf32, #tpu.memory_space<hbm>> -> memref<2048x16xf32, #tpu.memory_space<hbm>>
    %dma_start3A_351 = arith.constant 0 : i32
    %dma_start3A_352 = arith.constant 0 : i32
    %dma_start3A_353 = tpu.memref_slice %arg7[%dma_start3A_342, %dma_start3A_351, %dma_start3A_352] : memref<2x2048x16xf32, #tpu.memory_space<vmem>> -> memref<1x2048x16xf32, #tpu.memory_space<vmem>>
    %dma_start3A_354 = tpu.memref_squeeze %dma_start3A_353 : memref<1x2048x16xf32, #tpu.memory_space<vmem>> -> memref<2048x16xf32, #tpu.memory_space<vmem>>
    tpu.enqueue_dma source(%dma_start3A_354 : memref<2048x16xf32, #tpu.memory_space<vmem>>) target(%dma_start3A_350 : memref<2048x16xf32, #tpu.memory_space<hbm>>) target_semaphore(%arg11 : memref<!tpu.dma_semaphore, #tpu.memory_space<semaphore_mem>>)
    %dma_wait3A_355 = arith.constant 1 : i32
    %dma_wait3A_356 = arith.constant 0 : i32
    %dma_wait3A_357 = arith.constant 0 : i32
    %dma_wait3A_358 = tpu.memref_slice %arg7[%dma_wait3A_355, %dma_wait3A_356, %dma_wait3A_357] : memref<2x2048x16xf32, #tpu.memory_space<vmem>> -> memref<1x2048x16xf32, #tpu.memory_space<vmem>>
    %dma_wait3A_359 = tpu.memref_squeeze %dma_wait3A_358 : memref<1x2048x16xf32, #tpu.memory_space<vmem>> -> memref<2048x16xf32, #tpu.memory_space<vmem>>
    %dma_wait3A_360 = arith.constant 14336 : i32
    %dma_wait3A_361 = tpu.memref_slice %arg6[%dma_wait3A_360] : memref<16384xi32, #tpu.memory_space<vmem>> -> memref<2048xi32, #tpu.memory_space<vmem>>
    %dma_wait3A_362 = arith.constant 0 : i32
    %dma_wait3A_363 = arith.constant 0 : i32
    %dma_wait3A_364 = tpu.memref_slice %arg2[%dma_wait3A_362, %dma_wait3A_363] : memref<2048x16xf32, #tpu.memory_space<hbm>> -> memref<2048x16xf32, #tpu.memory_space<hbm>>
    tpu.wait_indirect_dma semaphore(%arg10 : memref<!tpu.dma_semaphore, #tpu.memory_space<semaphore_mem>>) src(%dma_wait3A_364 : memref<2048x16xf32, #tpu.memory_space<hbm>>) dst(%dma_wait3A_359 : memref<2048x16xf32, #tpu.memory_space<vmem>>)
    %add3A_365 = arith.constant 14336 : i32
    %add3A_366 = arith.addi %mul3A_2, %add3A_365 : i32
    %dma_start3A_367 = arith.constant 1 : i32
    %dma_start3A_368 = arith.constant 0 : i32
    %dma_start3A_369 = arith.constant 0 : i32
    %dma_start3A_370 = tpu.memref_slice %arg7[%dma_start3A_367, %dma_start3A_368, %dma_start3A_369] : memref<2x2048x16xf32, #tpu.memory_space<vmem>> -> memref<1x2048x16xf32, #tpu.memory_space<vmem>>
    %dma_start3A_371 = tpu.memref_squeeze %dma_start3A_370 : memref<1x2048x16xf32, #tpu.memory_space<vmem>> -> memref<2048x16xf32, #tpu.memory_space<vmem>>
    %dma_start3A_372 = arith.constant 0 : i32
    %dma_start3A_373 = tpu.memref_slice %arg4[%add3A_366, %dma_start3A_372] : memref<524288x16xf32, #tpu.memory_space<hbm>> -> memref<2048x16xf32, #tpu.memory_space<hbm>>
    %dma_start3A_374 = arith.constant 0 : i32
    %dma_start3A_375 = tpu.memref_slice %arg4[%add3A_366, %dma_start3A_374] : memref<524288x16xf32, #tpu.memory_space<hbm>> -> memref<2048x16xf32, #tpu.memory_space<hbm>>
    %dma_start3A_376 = arith.constant 0 : i32
    %dma_start3A_377 = arith.constant 0 : i32
    %dma_start3A_378 = tpu.memref_slice %arg7[%dma_start3A_367, %dma_start3A_376, %dma_start3A_377] : memref<2x2048x16xf32, #tpu.memory_space<vmem>> -> memref<1x2048x16xf32, #tpu.memory_space<vmem>>
    %dma_start3A_379 = tpu.memref_squeeze %dma_start3A_378 : memref<1x2048x16xf32, #tpu.memory_space<vmem>> -> memref<2048x16xf32, #tpu.memory_space<vmem>>
    tpu.enqueue_dma source(%dma_start3A_379 : memref<2048x16xf32, #tpu.memory_space<vmem>>) target(%dma_start3A_375 : memref<2048x16xf32, #tpu.memory_space<hbm>>) target_semaphore(%arg12 : memref<!tpu.dma_semaphore, #tpu.memory_space<semaphore_mem>>)
    %dma_wait3A_380 = arith.constant 0 : i32
    %dma_wait3A_381 = arith.constant 0 : i32
    %dma_wait3A_382 = arith.constant 0 : i32
    %dma_wait3A_383 = tpu.memref_slice %arg7[%dma_wait3A_380, %dma_wait3A_381, %dma_wait3A_382] : memref<2x2048x16xf32, #tpu.memory_space<vmem>> -> memref<1x2048x16xf32, #tpu.memory_space<vmem>>
    %dma_wait3A_384 = tpu.memref_squeeze %dma_wait3A_383 : memref<1x2048x16xf32, #tpu.memory_space<vmem>> -> memref<2048x16xf32, #tpu.memory_space<vmem>>
    %dma_wait3A_385 = arith.constant 0 : i32
    %dma_wait3A_386 = tpu.memref_slice %arg4[%add3A_341, %dma_wait3A_385] : memref<524288x16xf32, #tpu.memory_space<hbm>> -> memref<2048x16xf32, #tpu.memory_space<hbm>>
    %dma_wait3A_387 = arith.constant 0 : i32
    %dma_wait3A_388 = tpu.memref_slice %arg4[%add3A_341, %dma_wait3A_387] : memref<524288x16xf32, #tpu.memory_space<hbm>> -> memref<2048x16xf32, #tpu.memory_space<hbm>>
    %dma_wait3A_389 = arith.constant 0 : i32
    %dma_wait3A_390 = arith.constant 0 : i32
    %dma_wait3A_391 = tpu.memref_slice %arg7[%dma_wait3A_380, %dma_wait3A_389, %dma_wait3A_390] : memref<2x2048x16xf32, #tpu.memory_space<vmem>> -> memref<1x2048x16xf32, #tpu.memory_space<vmem>>
    %dma_wait3A_392 = tpu.memref_squeeze %dma_wait3A_391 : memref<1x2048x16xf32, #tpu.memory_space<vmem>> -> memref<2048x16xf32, #tpu.memory_space<vmem>>
    tpu.wait_dma2 semaphore(%arg11 : memref<!tpu.dma_semaphore, #tpu.memory_space<semaphore_mem>>) src(%dma_wait3A_392 : memref<2048x16xf32, #tpu.memory_space<vmem>>) dst(%dma_wait3A_388 : memref<2048x16xf32, #tpu.memory_space<hbm>>)
    %dma_wait3A_393 = arith.constant 1 : i32
    %dma_wait3A_394 = arith.constant 0 : i32
    %dma_wait3A_395 = arith.constant 0 : i32
    %dma_wait3A_396 = tpu.memref_slice %arg7[%dma_wait3A_393, %dma_wait3A_394, %dma_wait3A_395] : memref<2x2048x16xf32, #tpu.memory_space<vmem>> -> memref<1x2048x16xf32, #tpu.memory_space<vmem>>
    %dma_wait3A_397 = tpu.memref_squeeze %dma_wait3A_396 : memref<1x2048x16xf32, #tpu.memory_space<vmem>> -> memref<2048x16xf32, #tpu.memory_space<vmem>>
    %dma_wait3A_398 = arith.constant 0 : i32
    %dma_wait3A_399 = tpu.memref_slice %arg4[%add3A_366, %dma_wait3A_398] : memref<524288x16xf32, #tpu.memory_space<hbm>> -> memref<2048x16xf32, #tpu.memory_space<hbm>>
    %dma_wait3A_400 = arith.constant 0 : i32
    %dma_wait3A_401 = tpu.memref_slice %arg4[%add3A_366, %dma_wait3A_400] : memref<524288x16xf32, #tpu.memory_space<hbm>> -> memref<2048x16xf32, #tpu.memory_space<hbm>>
    %dma_wait3A_402 = arith.constant 0 : i32
    %dma_wait3A_403 = arith.constant 0 : i32
    %dma_wait3A_404 = tpu.memref_slice %arg7[%dma_wait3A_393, %dma_wait3A_402, %dma_wait3A_403] : memref<2x2048x16xf32, #tpu.memory_space<vmem>> -> memref<1x2048x16xf32, #tpu.memory_space<vmem>>
    %dma_wait3A_405 = tpu.memref_squeeze %dma_wait3A_404 : memref<1x2048x16xf32, #tpu.memory_space<vmem>> -> memref<2048x16xf32, #tpu.memory_space<vmem>>
    tpu.wait_dma2 semaphore(%arg12 : memref<!tpu.dma_semaphore, #tpu.memory_space<semaphore_mem>>) src(%dma_wait3A_405 : memref<2048x16xf32, #tpu.memory_space<vmem>>) dst(%dma_wait3A_401 : memref<2048x16xf32, #tpu.memory_space<hbm>>)
    return
  }
}

module attributes {stable_mosaic.version = 14 : i64} {
  func.func @_dist_body(%arg0: i32, %arg1: memref<4096x128xf32, #tpu.memory_space<vmem>>, %arg2: memref<8x256x16xf32, #tpu.memory_space<vmem>>, %arg3: memref<1x128xf32, #tpu.memory_space<vmem>>, %arg4: memref<8x4096xi32, #tpu.memory_space<vmem>>, %arg5: memref<1x4096xf32, #tpu.memory_space<vmem>>, %arg6: memref<2048x128xf32, #tpu.memory_space<vmem>>, %arg7: memref<2048x1xf32, #tpu.memory_space<vmem>>) attributes {dimension_semantics = [#tpu.dimension_semantics<arbitrary>], iteration_bounds = array<i64: 16>, scalar_prefetch = 0 : i64, scratch_operands = 2 : i64, tpu.core_type = #tpu.core_type<tc>, window_params = [{transform_indices = @transform_0, window_bounds = array<i64: 4096, 128>}, {pipeline_mode = #tpu.pipeline_mode<synchronous>, transform_indices = @transform_1, window_bounds = array<i64: 8, 256, 16>}, {pipeline_mode = #tpu.pipeline_mode<synchronous>, transform_indices = @transform_2, window_bounds = array<i64: 1, 128>}, {transform_indices = @transform_3, window_bounds = array<i64: 8, 4096>}, {transform_indices = @transform_4, window_bounds = array<i64: 1, 4096>}]} {
    %eq3A = arith.constant 0 : i32
    %eq3A_0 = arith.cmpi eq, %arg0, %eq3A : i32
    %convert_element_type3A = arith.extui %eq3A_0 : i1 to i32
    %cond3A = arith.constant 0 : i32
    %cond3A_1 = arith.cmpi ne, %convert_element_type3A, %cond3A : i32
    scf.if %cond3A_1 {
      %broadcast_in_dim3A_511 = arith.constant 0.000000e+00 : f32
      %broadcast_in_dim3A_512 = vector.broadcast %broadcast_in_dim3A_511 : f32 to vector<2048x128xf32>
      %swap3A_513 = arith.constant 0 : index
      %swap3A_514 = arith.constant 0 : index
      %swap3A_515 = vector.load %arg6[%swap3A_513, %swap3A_514] : memref<2048x128xf32, #tpu.memory_space<vmem>>, vector<2048x128xf32>
      tpu.vector_store %arg6[%swap3A_513, %swap3A_514], %broadcast_in_dim3A_512 {strides = array<i32>} : memref<2048x128xf32, #tpu.memory_space<vmem>>, vector<2048x128xf32>,
      %get3A_516 = arith.constant 0 : index
      %get3A_517 = arith.constant 0 : index
      %get3A_518 = arith.constant 0 : index
      %get3A_519 = vector.load %arg2[%get3A_516, %get3A_517, %get3A_518] : memref<8x256x16xf32, #tpu.memory_space<vmem>>, vector<1x256x16xf32>
      %get3A_520 = vector.shape_cast %get3A_519 : vector<1x256x16xf32> to vector<256x16xf32>
      %swap3A_521 = arith.constant 0 : index
      %swap3A_522 = arith.constant 0 : index
      %swap3A_523 = vector.load %arg6[%swap3A_521, %swap3A_522] : memref<2048x128xf32, #tpu.memory_space<vmem>>, vector<256x16xf32>
      tpu.vector_store %arg6[%swap3A_521, %swap3A_522], %get3A_520 {strides = array<i32>} : memref<2048x128xf32, #tpu.memory_space<vmem>>, vector<256x16xf32>,
      %get3A_524 = arith.constant 1 : index
      %get3A_525 = arith.constant 0 : index
      %get3A_526 = arith.constant 0 : index
      %get3A_527 = vector.load %arg2[%get3A_524, %get3A_525, %get3A_526] : memref<8x256x16xf32, #tpu.memory_space<vmem>>, vector<1x256x16xf32>
      %get3A_528 = vector.shape_cast %get3A_527 : vector<1x256x16xf32> to vector<256x16xf32>
      %swap3A_529 = arith.constant 256 : index
      %swap3A_530 = arith.constant 16 : index
      %swap3A_531 = vector.load %arg6[%swap3A_529, %swap3A_530] : memref<2048x128xf32, #tpu.memory_space<vmem>>, vector<256x16xf32>
      tpu.vector_store %arg6[%swap3A_529, %swap3A_530], %get3A_528 {strides = array<i32>} : memref<2048x128xf32, #tpu.memory_space<vmem>>, vector<256x16xf32>,
      %get3A_532 = arith.constant 2 : index
      %get3A_533 = arith.constant 0 : index
      %get3A_534 = arith.constant 0 : index
      %get3A_535 = vector.load %arg2[%get3A_532, %get3A_533, %get3A_534] : memref<8x256x16xf32, #tpu.memory_space<vmem>>, vector<1x256x16xf32>
      %get3A_536 = vector.shape_cast %get3A_535 : vector<1x256x16xf32> to vector<256x16xf32>
      %swap3A_537 = arith.constant 512 : index
      %swap3A_538 = arith.constant 32 : index
      %swap3A_539 = vector.load %arg6[%swap3A_537, %swap3A_538] : memref<2048x128xf32, #tpu.memory_space<vmem>>, vector<256x16xf32>
      tpu.vector_store %arg6[%swap3A_537, %swap3A_538], %get3A_536 {strides = array<i32>} : memref<2048x128xf32, #tpu.memory_space<vmem>>, vector<256x16xf32>,
      %get3A_540 = arith.constant 3 : index
      %get3A_541 = arith.constant 0 : index
      %get3A_542 = arith.constant 0 : index
      %get3A_543 = vector.load %arg2[%get3A_540, %get3A_541, %get3A_542] : memref<8x256x16xf32, #tpu.memory_space<vmem>>, vector<1x256x16xf32>
      %get3A_544 = vector.shape_cast %get3A_543 : vector<1x256x16xf32> to vector<256x16xf32>
      %swap3A_545 = arith.constant 768 : index
      %swap3A_546 = arith.constant 48 : index
      %swap3A_547 = vector.load %arg6[%swap3A_545, %swap3A_546] : memref<2048x128xf32, #tpu.memory_space<vmem>>, vector<256x16xf32>
      tpu.vector_store %arg6[%swap3A_545, %swap3A_546], %get3A_544 {strides = array<i32>} : memref<2048x128xf32, #tpu.memory_space<vmem>>, vector<256x16xf32>,
      %get3A_548 = arith.constant 4 : index
      %get3A_549 = arith.constant 0 : index
      %get3A_550 = arith.constant 0 : index
      %get3A_551 = vector.load %arg2[%get3A_548, %get3A_549, %get3A_550] : memref<8x256x16xf32, #tpu.memory_space<vmem>>, vector<1x256x16xf32>
      %get3A_552 = vector.shape_cast %get3A_551 : vector<1x256x16xf32> to vector<256x16xf32>
      %swap3A_553 = arith.constant 1024 : index
      %swap3A_554 = arith.constant 64 : index
      %swap3A_555 = vector.load %arg6[%swap3A_553, %swap3A_554] : memref<2048x128xf32, #tpu.memory_space<vmem>>, vector<256x16xf32>
      tpu.vector_store %arg6[%swap3A_553, %swap3A_554], %get3A_552 {strides = array<i32>} : memref<2048x128xf32, #tpu.memory_space<vmem>>, vector<256x16xf32>,
      %get3A_556 = arith.constant 5 : index
      %get3A_557 = arith.constant 0 : index
      %get3A_558 = arith.constant 0 : index
      %get3A_559 = vector.load %arg2[%get3A_556, %get3A_557, %get3A_558] : memref<8x256x16xf32, #tpu.memory_space<vmem>>, vector<1x256x16xf32>
      %get3A_560 = vector.shape_cast %get3A_559 : vector<1x256x16xf32> to vector<256x16xf32>
      %swap3A_561 = arith.constant 1280 : index
      %swap3A_562 = arith.constant 80 : index
      %swap3A_563 = vector.load %arg6[%swap3A_561, %swap3A_562] : memref<2048x128xf32, #tpu.memory_space<vmem>>, vector<256x16xf32>
      tpu.vector_store %arg6[%swap3A_561, %swap3A_562], %get3A_560 {strides = array<i32>} : memref<2048x128xf32, #tpu.memory_space<vmem>>, vector<256x16xf32>,
      %get3A_564 = arith.constant 6 : index
      %get3A_565 = arith.constant 0 : index
      %get3A_566 = arith.constant 0 : index
      %get3A_567 = vector.load %arg2[%get3A_564, %get3A_565, %get3A_566] : memref<8x256x16xf32, #tpu.memory_space<vmem>>, vector<1x256x16xf32>
      %get3A_568 = vector.shape_cast %get3A_567 : vector<1x256x16xf32> to vector<256x16xf32>
      %swap3A_569 = arith.constant 1536 : index
      %swap3A_570 = arith.constant 96 : index
      %swap3A_571 = vector.load %arg6[%swap3A_569, %swap3A_570] : memref<2048x128xf32, #tpu.memory_space<vmem>>, vector<256x16xf32>
      tpu.vector_store %arg6[%swap3A_569, %swap3A_570], %get3A_568 {strides = array<i32>} : memref<2048x128xf32, #tpu.memory_space<vmem>>, vector<256x16xf32>,
      %get3A_572 = arith.constant 7 : index
      %get3A_573 = arith.constant 0 : index
      %get3A_574 = arith.constant 0 : index
      %get3A_575 = vector.load %arg2[%get3A_572, %get3A_573, %get3A_574] : memref<8x256x16xf32, #tpu.memory_space<vmem>>, vector<1x256x16xf32>
      %get3A_576 = vector.shape_cast %get3A_575 : vector<1x256x16xf32> to vector<256x16xf32>
      %swap3A_577 = arith.constant 1792 : index
      %swap3A_578 = arith.constant 112 : index
      %swap3A_579 = vector.load %arg6[%swap3A_577, %swap3A_578] : memref<2048x128xf32, #tpu.memory_space<vmem>>, vector<256x16xf32>
      tpu.vector_store %arg6[%swap3A_577, %swap3A_578], %get3A_576 {strides = array<i32>} : memref<2048x128xf32, #tpu.memory_space<vmem>>, vector<256x16xf32>,
      %get3A_580 = arith.constant 0 : index
      %get3A_581 = arith.constant 0 : index
      %get3A_582 = vector.load %arg6[%get3A_580, %get3A_581] : memref<2048x128xf32, #tpu.memory_space<vmem>>, vector<2048x128xf32>
      %mul3A_583 = arith.mulf %get3A_582, %get3A_582 : vector<2048x128xf32>
      %reduce_sum3A = arith.constant dense<0.000000e+00> : vector<2048xf32>
      %reduce_sum3A_584 = vector.multi_reduction <add>, %mul3A_583, %reduce_sum3A [1] : vector<2048x128xf32> to vector<2048xf32>
      %broadcast_in_dim3A_585 = vector.shape_cast %reduce_sum3A_584 : vector<2048xf32> to vector<2048x1xf32>
      %mul3A_586 = arith.constant 5.000000e-01 : f32
      %mul3A_587 = vector.broadcast %mul3A_586 : f32 to vector<2048x1xf32>
      %mul3A_588 = arith.mulf %mul3A_587, %broadcast_in_dim3A_585 : vector<2048x1xf32>
      %swap3A_589 = arith.constant 0 : index
      %swap3A_590 = arith.constant 0 : index
      %swap3A_591 = vector.load %arg7[%swap3A_589, %swap3A_590] : memref<2048x1xf32, #tpu.memory_space<vmem>>, vector<2048x1xf32>
      tpu.vector_store %arg7[%swap3A_589, %swap3A_590], %mul3A_588 {strides = array<i32>} : memref<2048x1xf32, #tpu.memory_space<vmem>>, vector<2048x1xf32>,
    } else {
    }
    %get3A = arith.constant 0 : index
    %get3A_2 = arith.constant 0 : index
    %get3A_3 = vector.load %arg1[%get3A, %get3A_2] : memref<4096x128xf32, #tpu.memory_space<vmem>>, vector<4096x128xf32>
    %get3A_4 = arith.constant 0 : index
    %get3A_5 = arith.constant 0 : index
    %get3A_6 = vector.load %arg6[%get3A_4, %get3A_5] : memref<2048x128xf32, #tpu.memory_space<vmem>>, vector<2048x128xf32>
    %dot_general3A = arith.constant dense<0.000000e+00> : vector<2048x4096xf32>
    %dot_general3A_7 = tpu.matmul %get3A_6, %get3A_3, %dot_general3A {dimension_numbers = #tpu.dot_dimension_numbers<[1], [1], [0], [0], [0, 0, 1, 0], [], []>, transpose_lhs_hint = false} : vector<2048x128xf32>, vector<4096x128xf32>, vector<2048x4096xf32> -> vector<2048x4096xf32>
    %get3A_8 = arith.constant 0 : index
    %get3A_9 = arith.constant 0 : index
    %get3A_10 = vector.load %arg7[%get3A_8, %get3A_9] : memref<2048x1xf32, #tpu.memory_space<vmem>>, vector<2048x1xf32>
    %sub3A = vector.broadcast %get3A_10 : vector<2048x1xf32> to vector<2048x4096xf32>
    %sub3A_11 = arith.subf %dot_general3A_7, %sub3A : vector<2048x4096xf32>
    %mul3A = arith.mulf %get3A_3, %get3A_3 : vector<4096x128xf32>
    %get3A_12 = arith.constant 0 : index
    %get3A_13 = arith.constant 0 : index
    %get3A_14 = vector.load %arg3[%get3A_12, %get3A_13] : memref<1x128xf32, #tpu.memory_space<vmem>>, vector<1x128xf32>
    %dot_general3A_15 = arith.constant dense<0.000000e+00> : vector<1x4096xf32>
    %dot_general3A_16 = tpu.matmul %get3A_14, %mul3A, %dot_general3A_15 {dimension_numbers = #tpu.dot_dimension_numbers<[1], [1], [0], [0], [0, 0, 1, 0], [], []>, transpose_lhs_hint = false} : vector<1x128xf32>, vector<4096x128xf32>, vector<1x4096xf32> -> vector<1x4096xf32>
    %broadcast_in_dim3A = arith.constant 0.000000e+00 : f32
    %broadcast_in_dim3A_17 = vector.broadcast %broadcast_in_dim3A : f32 to vector<1x4096xf32>
    %iota3A = tpu.iota {dimensions = array<i32: 0>} : vector<256x4096xi32>
    %slice3A = vector.extract_strided_slice %sub3A_11 {offsets = [0, 0], sizes = [256, 4096], strides = [1, 1]} : vector<2048x4096xf32> to vector<256x4096xf32>
    %slice3A_18 = vector.extract_strided_slice %slice3A {offsets = [0, 0], sizes = [128, 4096], strides = [1, 1]} : vector<256x4096xf32> to vector<128x4096xf32>
    %slice3A_19 = vector.extract_strided_slice %slice3A {offsets = [128, 0], sizes = [128, 4096], strides = [1, 1]} : vector<256x4096xf32> to vector<128x4096xf32>
    %slice3A_20 = vector.extract_strided_slice %iota3A {offsets = [0, 0], sizes = [128, 4096], strides = [1, 1]} : vector<256x4096xi32> to vector<128x4096xi32>
    %slice3A_21 = vector.extract_strided_slice %iota3A {offsets = [128, 0], sizes = [128, 4096], strides = [1, 1]} : vector<256x4096xi32> to vector<128x4096xi32>
    %gt3A = arith.cmpf ogt, %slice3A_19, %slice3A_18 : vector<128x4096xf32>
    %select_n3A = arith.select %gt3A, %slice3A_19, %slice3A_18 : vector<128x4096xi1>, vector<128x4096xf32>
    %select_n3A_22 = arith.select %gt3A, %slice3A_21, %slice3A_20 : vector<128x4096xi1>, vector<128x4096xi32>
    %slice3A_23 = vector.extract_strided_slice %select_n3A {offsets = [0, 0], sizes = [64, 4096], strides = [1, 1]} : vector<128x4096xf32> to vector<64x4096xf32>
    %slice3A_24 = vector.extract_strided_slice %select_n3A {offsets = [64, 0], sizes = [64, 4096], strides = [1, 1]} : vector<128x4096xf32> to vector<64x4096xf32>
    %slice3A_25 = vector.extract_strided_slice %select_n3A_22 {offsets = [0, 0], sizes = [64, 4096], strides = [1, 1]} : vector<128x4096xi32> to vector<64x4096xi32>
    %slice3A_26 = vector.extract_strided_slice %select_n3A_22 {offsets = [64, 0], sizes = [64, 4096], strides = [1, 1]} : vector<128x4096xi32> to vector<64x4096xi32>
    %gt3A_27 = arith.cmpf ogt, %slice3A_24, %slice3A_23 : vector<64x4096xf32>
    %select_n3A_28 = arith.select %gt3A_27, %slice3A_24, %slice3A_23 : vector<64x4096xi1>, vector<64x4096xf32>
    %select_n3A_29 = arith.select %gt3A_27, %slice3A_26, %slice3A_25 : vector<64x4096xi1>, vector<64x4096xi32>
    %slice3A_30 = vector.extract_strided_slice %select_n3A_28 {offsets = [0, 0], sizes = [32, 4096], strides = [1, 1]} : vector<64x4096xf32> to vector<32x4096xf32>
    %slice3A_31 = vector.extract_strided_slice %select_n3A_28 {offsets = [32, 0], sizes = [32, 4096], strides = [1, 1]} : vector<64x4096xf32> to vector<32x4096xf32>
    %slice3A_32 = vector.extract_strided_slice %select_n3A_29 {offsets = [0, 0], sizes = [32, 4096], strides = [1, 1]} : vector<64x4096xi32> to vector<32x4096xi32>
    %slice3A_33 = vector.extract_strided_slice %select_n3A_29 {offsets = [32, 0], sizes = [32, 4096], strides = [1, 1]} : vector<64x4096xi32> to vector<32x4096xi32>
    %gt3A_34 = arith.cmpf ogt, %slice3A_31, %slice3A_30 : vector<32x4096xf32>
    %select_n3A_35 = arith.select %gt3A_34, %slice3A_31, %slice3A_30 : vector<32x4096xi1>, vector<32x4096xf32>
    %select_n3A_36 = arith.select %gt3A_34, %slice3A_33, %slice3A_32 : vector<32x4096xi1>, vector<32x4096xi32>
    %slice3A_37 = vector.extract_strided_slice %select_n3A_35 {offsets = [0, 0], sizes = [16, 4096], strides = [1, 1]} : vector<32x4096xf32> to vector<16x4096xf32>
    %slice3A_38 = vector.extract_strided_slice %select_n3A_35 {offsets = [16, 0], sizes = [16, 4096], strides = [1, 1]} : vector<32x4096xf32> to vector<16x4096xf32>
    %slice3A_39 = vector.extract_strided_slice %select_n3A_36 {offsets = [0, 0], sizes = [16, 4096], strides = [1, 1]} : vector<32x4096xi32> to vector<16x4096xi32>
    %slice3A_40 = vector.extract_strided_slice %select_n3A_36 {offsets = [16, 0], sizes = [16, 4096], strides = [1, 1]} : vector<32x4096xi32> to vector<16x4096xi32>
    %gt3A_41 = arith.cmpf ogt, %slice3A_38, %slice3A_37 : vector<16x4096xf32>
    %select_n3A_42 = arith.select %gt3A_41, %slice3A_38, %slice3A_37 : vector<16x4096xi1>, vector<16x4096xf32>
    %select_n3A_43 = arith.select %gt3A_41, %slice3A_40, %slice3A_39 : vector<16x4096xi1>, vector<16x4096xi32>
    %slice3A_44 = vector.extract_strided_slice %select_n3A_42 {offsets = [0, 0], sizes = [8, 4096], strides = [1, 1]} : vector<16x4096xf32> to vector<8x4096xf32>
    %slice3A_45 = vector.extract_strided_slice %select_n3A_42 {offsets = [8, 0], sizes = [8, 4096], strides = [1, 1]} : vector<16x4096xf32> to vector<8x4096xf32>
    %slice3A_46 = vector.extract_strided_slice %select_n3A_43 {offsets = [0, 0], sizes = [8, 4096], strides = [1, 1]} : vector<16x4096xi32> to vector<8x4096xi32>
    %slice3A_47 = vector.extract_strided_slice %select_n3A_43 {offsets = [8, 0], sizes = [8, 4096], strides = [1, 1]} : vector<16x4096xi32> to vector<8x4096xi32>
    %gt3A_48 = arith.cmpf ogt, %slice3A_45, %slice3A_44 : vector<8x4096xf32>
    %select_n3A_49 = arith.select %gt3A_48, %slice3A_45, %slice3A_44 : vector<8x4096xi1>, vector<8x4096xf32>
    %select_n3A_50 = arith.select %gt3A_48, %slice3A_47, %slice3A_46 : vector<8x4096xi1>, vector<8x4096xi32>
    %slice3A_51 = vector.extract_strided_slice %select_n3A_49 {offsets = [0, 0], sizes = [4, 4096], strides = [1, 1]} : vector<8x4096xf32> to vector<4x4096xf32>
    %slice3A_52 = vector.extract_strided_slice %select_n3A_49 {offsets = [4, 0], sizes = [4, 4096], strides = [1, 1]} : vector<8x4096xf32> to vector<4x4096xf32>
    %slice3A_53 = vector.extract_strided_slice %select_n3A_50 {offsets = [0, 0], sizes = [4, 4096], strides = [1, 1]} : vector<8x4096xi32> to vector<4x4096xi32>
    %slice3A_54 = vector.extract_strided_slice %select_n3A_50 {offsets = [4, 0], sizes = [4, 4096], strides = [1, 1]} : vector<8x4096xi32> to vector<4x4096xi32>
    %gt3A_55 = arith.cmpf ogt, %slice3A_52, %slice3A_51 : vector<4x4096xf32>
    %select_n3A_56 = arith.select %gt3A_55, %slice3A_52, %slice3A_51 : vector<4x4096xi1>, vector<4x4096xf32>
    %select_n3A_57 = arith.select %gt3A_55, %slice3A_54, %slice3A_53 : vector<4x4096xi1>, vector<4x4096xi32>
    %slice3A_58 = vector.extract_strided_slice %select_n3A_56 {offsets = [0, 0], sizes = [2, 4096], strides = [1, 1]} : vector<4x4096xf32> to vector<2x4096xf32>
    %slice3A_59 = vector.extract_strided_slice %select_n3A_56 {offsets = [2, 0], sizes = [2, 4096], strides = [1, 1]} : vector<4x4096xf32> to vector<2x4096xf32>
    %slice3A_60 = vector.extract_strided_slice %select_n3A_57 {offsets = [0, 0], sizes = [2, 4096], strides = [1, 1]} : vector<4x4096xi32> to vector<2x4096xi32>
    %slice3A_61 = vector.extract_strided_slice %select_n3A_57 {offsets = [2, 0], sizes = [2, 4096], strides = [1, 1]} : vector<4x4096xi32> to vector<2x4096xi32>
    %gt3A_62 = arith.cmpf ogt, %slice3A_59, %slice3A_58 : vector<2x4096xf32>
    %select_n3A_63 = arith.select %gt3A_62, %slice3A_59, %slice3A_58 : vector<2x4096xi1>, vector<2x4096xf32>
    %select_n3A_64 = arith.select %gt3A_62, %slice3A_61, %slice3A_60 : vector<2x4096xi1>, vector<2x4096xi32>
    %slice3A_65 = vector.extract_strided_slice %select_n3A_63 {offsets = [0, 0], sizes = [1, 4096], strides = [1, 1]} : vector<2x4096xf32> to vector<1x4096xf32>
    %slice3A_66 = vector.extract_strided_slice %select_n3A_63 {offsets = [1, 0], sizes = [1, 4096], strides = [1, 1]} : vector<2x4096xf32> to vector<1x4096xf32>
    %slice3A_67 = vector.extract_strided_slice %select_n3A_64 {offsets = [0, 0], sizes = [1, 4096], strides = [1, 1]} : vector<2x4096xi32> to vector<1x4096xi32>
    %slice3A_68 = vector.extract_strided_slice %select_n3A_64 {offsets = [1, 0], sizes = [1, 4096], strides = [1, 1]} : vector<2x4096xi32> to vector<1x4096xi32>
    %gt3A_69 = arith.cmpf ogt, %slice3A_66, %slice3A_65 : vector<1x4096xf32>
    %select_n3A_70 = arith.select %gt3A_69, %slice3A_66, %slice3A_65 : vector<1x4096xi1>, vector<1x4096xf32>
    %select_n3A_71 = arith.select %gt3A_69, %slice3A_68, %slice3A_67 : vector<1x4096xi1>, vector<1x4096xi32>
    %add3A = arith.addf %broadcast_in_dim3A_17, %select_n3A_70 : vector<1x4096xf32>
    %add3A_72 = arith.constant 0 : i32
    %add3A_73 = vector.broadcast %add3A_72 : i32 to vector<1x4096xi32>
    %add3A_74 = arith.addi %select_n3A_71, %add3A_73 : vector<1x4096xi32>
    %slice3A_75 = vector.extract_strided_slice %sub3A_11 {offsets = [256, 0], sizes = [256, 4096], strides = [1, 1]} : vector<2048x4096xf32> to vector<256x4096xf32>
    %slice3A_76 = vector.extract_strided_slice %slice3A_75 {offsets = [0, 0], sizes = [128, 4096], strides = [1, 1]} : vector<256x4096xf32> to vector<128x4096xf32>
    %slice3A_77 = vector.extract_strided_slice %slice3A_75 {offsets = [128, 0], sizes = [128, 4096], strides = [1, 1]} : vector<256x4096xf32> to vector<128x4096xf32>
    %slice3A_78 = vector.extract_strided_slice %iota3A {offsets = [0, 0], sizes = [128, 4096], strides = [1, 1]} : vector<256x4096xi32> to vector<128x4096xi32>
    %slice3A_79 = vector.extract_strided_slice %iota3A {offsets = [128, 0], sizes = [128, 4096], strides = [1, 1]} : vector<256x4096xi32> to vector<128x4096xi32>
    %gt3A_80 = arith.cmpf ogt, %slice3A_77, %slice3A_76 : vector<128x4096xf32>
    %select_n3A_81 = arith.select %gt3A_80, %slice3A_77, %slice3A_76 : vector<128x4096xi1>, vector<128x4096xf32>
    %select_n3A_82 = arith.select %gt3A_80, %slice3A_79, %slice3A_78 : vector<128x4096xi1>, vector<128x4096xi32>
    %slice3A_83 = vector.extract_strided_slice %select_n3A_81 {offsets = [0, 0], sizes = [64, 4096], strides = [1, 1]} : vector<128x4096xf32> to vector<64x4096xf32>
    %slice3A_84 = vector.extract_strided_slice %select_n3A_81 {offsets = [64, 0], sizes = [64, 4096], strides = [1, 1]} : vector<128x4096xf32> to vector<64x4096xf32>
    %slice3A_85 = vector.extract_strided_slice %select_n3A_82 {offsets = [0, 0], sizes = [64, 4096], strides = [1, 1]} : vector<128x4096xi32> to vector<64x4096xi32>
    %slice3A_86 = vector.extract_strided_slice %select_n3A_82 {offsets = [64, 0], sizes = [64, 4096], strides = [1, 1]} : vector<128x4096xi32> to vector<64x4096xi32>
    %gt3A_87 = arith.cmpf ogt, %slice3A_84, %slice3A_83 : vector<64x4096xf32>
    %select_n3A_88 = arith.select %gt3A_87, %slice3A_84, %slice3A_83 : vector<64x4096xi1>, vector<64x4096xf32>
    %select_n3A_89 = arith.select %gt3A_87, %slice3A_86, %slice3A_85 : vector<64x4096xi1>, vector<64x4096xi32>
    %slice3A_90 = vector.extract_strided_slice %select_n3A_88 {offsets = [0, 0], sizes = [32, 4096], strides = [1, 1]} : vector<64x4096xf32> to vector<32x4096xf32>
    %slice3A_91 = vector.extract_strided_slice %select_n3A_88 {offsets = [32, 0], sizes = [32, 4096], strides = [1, 1]} : vector<64x4096xf32> to vector<32x4096xf32>
    %slice3A_92 = vector.extract_strided_slice %select_n3A_89 {offsets = [0, 0], sizes = [32, 4096], strides = [1, 1]} : vector<64x4096xi32> to vector<32x4096xi32>
    %slice3A_93 = vector.extract_strided_slice %select_n3A_89 {offsets = [32, 0], sizes = [32, 4096], strides = [1, 1]} : vector<64x4096xi32> to vector<32x4096xi32>
    %gt3A_94 = arith.cmpf ogt, %slice3A_91, %slice3A_90 : vector<32x4096xf32>
    %select_n3A_95 = arith.select %gt3A_94, %slice3A_91, %slice3A_90 : vector<32x4096xi1>, vector<32x4096xf32>
    %select_n3A_96 = arith.select %gt3A_94, %slice3A_93, %slice3A_92 : vector<32x4096xi1>, vector<32x4096xi32>
    %slice3A_97 = vector.extract_strided_slice %select_n3A_95 {offsets = [0, 0], sizes = [16, 4096], strides = [1, 1]} : vector<32x4096xf32> to vector<16x4096xf32>
    %slice3A_98 = vector.extract_strided_slice %select_n3A_95 {offsets = [16, 0], sizes = [16, 4096], strides = [1, 1]} : vector<32x4096xf32> to vector<16x4096xf32>
    %slice3A_99 = vector.extract_strided_slice %select_n3A_96 {offsets = [0, 0], sizes = [16, 4096], strides = [1, 1]} : vector<32x4096xi32> to vector<16x4096xi32>
    %slice3A_100 = vector.extract_strided_slice %select_n3A_96 {offsets = [16, 0], sizes = [16, 4096], strides = [1, 1]} : vector<32x4096xi32> to vector<16x4096xi32>
    %gt3A_101 = arith.cmpf ogt, %slice3A_98, %slice3A_97 : vector<16x4096xf32>
    %select_n3A_102 = arith.select %gt3A_101, %slice3A_98, %slice3A_97 : vector<16x4096xi1>, vector<16x4096xf32>
    %select_n3A_103 = arith.select %gt3A_101, %slice3A_100, %slice3A_99 : vector<16x4096xi1>, vector<16x4096xi32>
    %slice3A_104 = vector.extract_strided_slice %select_n3A_102 {offsets = [0, 0], sizes = [8, 4096], strides = [1, 1]} : vector<16x4096xf32> to vector<8x4096xf32>
    %slice3A_105 = vector.extract_strided_slice %select_n3A_102 {offsets = [8, 0], sizes = [8, 4096], strides = [1, 1]} : vector<16x4096xf32> to vector<8x4096xf32>
    %slice3A_106 = vector.extract_strided_slice %select_n3A_103 {offsets = [0, 0], sizes = [8, 4096], strides = [1, 1]} : vector<16x4096xi32> to vector<8x4096xi32>
    %slice3A_107 = vector.extract_strided_slice %select_n3A_103 {offsets = [8, 0], sizes = [8, 4096], strides = [1, 1]} : vector<16x4096xi32> to vector<8x4096xi32>
    %gt3A_108 = arith.cmpf ogt, %slice3A_105, %slice3A_104 : vector<8x4096xf32>
    %select_n3A_109 = arith.select %gt3A_108, %slice3A_105, %slice3A_104 : vector<8x4096xi1>, vector<8x4096xf32>
    %select_n3A_110 = arith.select %gt3A_108, %slice3A_107, %slice3A_106 : vector<8x4096xi1>, vector<8x4096xi32>
    %slice3A_111 = vector.extract_strided_slice %select_n3A_109 {offsets = [0, 0], sizes = [4, 4096], strides = [1, 1]} : vector<8x4096xf32> to vector<4x4096xf32>
    %slice3A_112 = vector.extract_strided_slice %select_n3A_109 {offsets = [4, 0], sizes = [4, 4096], strides = [1, 1]} : vector<8x4096xf32> to vector<4x4096xf32>
    %slice3A_113 = vector.extract_strided_slice %select_n3A_110 {offsets = [0, 0], sizes = [4, 4096], strides = [1, 1]} : vector<8x4096xi32> to vector<4x4096xi32>
    %slice3A_114 = vector.extract_strided_slice %select_n3A_110 {offsets = [4, 0], sizes = [4, 4096], strides = [1, 1]} : vector<8x4096xi32> to vector<4x4096xi32>
    %gt3A_115 = arith.cmpf ogt, %slice3A_112, %slice3A_111 : vector<4x4096xf32>
    %select_n3A_116 = arith.select %gt3A_115, %slice3A_112, %slice3A_111 : vector<4x4096xi1>, vector<4x4096xf32>
    %select_n3A_117 = arith.select %gt3A_115, %slice3A_114, %slice3A_113 : vector<4x4096xi1>, vector<4x4096xi32>
    %slice3A_118 = vector.extract_strided_slice %select_n3A_116 {offsets = [0, 0], sizes = [2, 4096], strides = [1, 1]} : vector<4x4096xf32> to vector<2x4096xf32>
    %slice3A_119 = vector.extract_strided_slice %select_n3A_116 {offsets = [2, 0], sizes = [2, 4096], strides = [1, 1]} : vector<4x4096xf32> to vector<2x4096xf32>
    %slice3A_120 = vector.extract_strided_slice %select_n3A_117 {offsets = [0, 0], sizes = [2, 4096], strides = [1, 1]} : vector<4x4096xi32> to vector<2x4096xi32>
    %slice3A_121 = vector.extract_strided_slice %select_n3A_117 {offsets = [2, 0], sizes = [2, 4096], strides = [1, 1]} : vector<4x4096xi32> to vector<2x4096xi32>
    %gt3A_122 = arith.cmpf ogt, %slice3A_119, %slice3A_118 : vector<2x4096xf32>
    %select_n3A_123 = arith.select %gt3A_122, %slice3A_119, %slice3A_118 : vector<2x4096xi1>, vector<2x4096xf32>
    %select_n3A_124 = arith.select %gt3A_122, %slice3A_121, %slice3A_120 : vector<2x4096xi1>, vector<2x4096xi32>
    %slice3A_125 = vector.extract_strided_slice %select_n3A_123 {offsets = [0, 0], sizes = [1, 4096], strides = [1, 1]} : vector<2x4096xf32> to vector<1x4096xf32>
    %slice3A_126 = vector.extract_strided_slice %select_n3A_123 {offsets = [1, 0], sizes = [1, 4096], strides = [1, 1]} : vector<2x4096xf32> to vector<1x4096xf32>
    %slice3A_127 = vector.extract_strided_slice %select_n3A_124 {offsets = [0, 0], sizes = [1, 4096], strides = [1, 1]} : vector<2x4096xi32> to vector<1x4096xi32>
    %slice3A_128 = vector.extract_strided_slice %select_n3A_124 {offsets = [1, 0], sizes = [1, 4096], strides = [1, 1]} : vector<2x4096xi32> to vector<1x4096xi32>
    %gt3A_129 = arith.cmpf ogt, %slice3A_126, %slice3A_125 : vector<1x4096xf32>
    %select_n3A_130 = arith.select %gt3A_129, %slice3A_126, %slice3A_125 : vector<1x4096xi1>, vector<1x4096xf32>
    %select_n3A_131 = arith.select %gt3A_129, %slice3A_128, %slice3A_127 : vector<1x4096xi1>, vector<1x4096xi32>
    %add3A_132 = arith.addf %add3A, %select_n3A_130 : vector<1x4096xf32>
    %add3A_133 = arith.constant 256 : i32
    %add3A_134 = vector.broadcast %add3A_133 : i32 to vector<1x4096xi32>
    %add3A_135 = arith.addi %select_n3A_131, %add3A_134 : vector<1x4096xi32>
    %slice3A_136 = vector.extract_strided_slice %sub3A_11 {offsets = [512, 0], sizes = [256, 4096], strides = [1, 1]} : vector<2048x4096xf32> to vector<256x4096xf32>
    %slice3A_137 = vector.extract_strided_slice %slice3A_136 {offsets = [0, 0], sizes = [128, 4096], strides = [1, 1]} : vector<256x4096xf32> to vector<128x4096xf32>
    %slice3A_138 = vector.extract_strided_slice %slice3A_136 {offsets = [128, 0], sizes = [128, 4096], strides = [1, 1]} : vector<256x4096xf32> to vector<128x4096xf32>
    %slice3A_139 = vector.extract_strided_slice %iota3A {offsets = [0, 0], sizes = [128, 4096], strides = [1, 1]} : vector<256x4096xi32> to vector<128x4096xi32>
    %slice3A_140 = vector.extract_strided_slice %iota3A {offsets = [128, 0], sizes = [128, 4096], strides = [1, 1]} : vector<256x4096xi32> to vector<128x4096xi32>
    %gt3A_141 = arith.cmpf ogt, %slice3A_138, %slice3A_137 : vector<128x4096xf32>
    %select_n3A_142 = arith.select %gt3A_141, %slice3A_138, %slice3A_137 : vector<128x4096xi1>, vector<128x4096xf32>
    %select_n3A_143 = arith.select %gt3A_141, %slice3A_140, %slice3A_139 : vector<128x4096xi1>, vector<128x4096xi32>
    %slice3A_144 = vector.extract_strided_slice %select_n3A_142 {offsets = [0, 0], sizes = [64, 4096], strides = [1, 1]} : vector<128x4096xf32> to vector<64x4096xf32>
    %slice3A_145 = vector.extract_strided_slice %select_n3A_142 {offsets = [64, 0], sizes = [64, 4096], strides = [1, 1]} : vector<128x4096xf32> to vector<64x4096xf32>
    %slice3A_146 = vector.extract_strided_slice %select_n3A_143 {offsets = [0, 0], sizes = [64, 4096], strides = [1, 1]} : vector<128x4096xi32> to vector<64x4096xi32>
    %slice3A_147 = vector.extract_strided_slice %select_n3A_143 {offsets = [64, 0], sizes = [64, 4096], strides = [1, 1]} : vector<128x4096xi32> to vector<64x4096xi32>
    %gt3A_148 = arith.cmpf ogt, %slice3A_145, %slice3A_144 : vector<64x4096xf32>
    %select_n3A_149 = arith.select %gt3A_148, %slice3A_145, %slice3A_144 : vector<64x4096xi1>, vector<64x4096xf32>
    %select_n3A_150 = arith.select %gt3A_148, %slice3A_147, %slice3A_146 : vector<64x4096xi1>, vector<64x4096xi32>
    %slice3A_151 = vector.extract_strided_slice %select_n3A_149 {offsets = [0, 0], sizes = [32, 4096], strides = [1, 1]} : vector<64x4096xf32> to vector<32x4096xf32>
    %slice3A_152 = vector.extract_strided_slice %select_n3A_149 {offsets = [32, 0], sizes = [32, 4096], strides = [1, 1]} : vector<64x4096xf32> to vector<32x4096xf32>
    %slice3A_153 = vector.extract_strided_slice %select_n3A_150 {offsets = [0, 0], sizes = [32, 4096], strides = [1, 1]} : vector<64x4096xi32> to vector<32x4096xi32>
    %slice3A_154 = vector.extract_strided_slice %select_n3A_150 {offsets = [32, 0], sizes = [32, 4096], strides = [1, 1]} : vector<64x4096xi32> to vector<32x4096xi32>
    %gt3A_155 = arith.cmpf ogt, %slice3A_152, %slice3A_151 : vector<32x4096xf32>
    %select_n3A_156 = arith.select %gt3A_155, %slice3A_152, %slice3A_151 : vector<32x4096xi1>, vector<32x4096xf32>
    %select_n3A_157 = arith.select %gt3A_155, %slice3A_154, %slice3A_153 : vector<32x4096xi1>, vector<32x4096xi32>
    %slice3A_158 = vector.extract_strided_slice %select_n3A_156 {offsets = [0, 0], sizes = [16, 4096], strides = [1, 1]} : vector<32x4096xf32> to vector<16x4096xf32>
    %slice3A_159 = vector.extract_strided_slice %select_n3A_156 {offsets = [16, 0], sizes = [16, 4096], strides = [1, 1]} : vector<32x4096xf32> to vector<16x4096xf32>
    %slice3A_160 = vector.extract_strided_slice %select_n3A_157 {offsets = [0, 0], sizes = [16, 4096], strides = [1, 1]} : vector<32x4096xi32> to vector<16x4096xi32>
    %slice3A_161 = vector.extract_strided_slice %select_n3A_157 {offsets = [16, 0], sizes = [16, 4096], strides = [1, 1]} : vector<32x4096xi32> to vector<16x4096xi32>
    %gt3A_162 = arith.cmpf ogt, %slice3A_159, %slice3A_158 : vector<16x4096xf32>
    %select_n3A_163 = arith.select %gt3A_162, %slice3A_159, %slice3A_158 : vector<16x4096xi1>, vector<16x4096xf32>
    %select_n3A_164 = arith.select %gt3A_162, %slice3A_161, %slice3A_160 : vector<16x4096xi1>, vector<16x4096xi32>
    %slice3A_165 = vector.extract_strided_slice %select_n3A_163 {offsets = [0, 0], sizes = [8, 4096], strides = [1, 1]} : vector<16x4096xf32> to vector<8x4096xf32>
    %slice3A_166 = vector.extract_strided_slice %select_n3A_163 {offsets = [8, 0], sizes = [8, 4096], strides = [1, 1]} : vector<16x4096xf32> to vector<8x4096xf32>
    %slice3A_167 = vector.extract_strided_slice %select_n3A_164 {offsets = [0, 0], sizes = [8, 4096], strides = [1, 1]} : vector<16x4096xi32> to vector<8x4096xi32>
    %slice3A_168 = vector.extract_strided_slice %select_n3A_164 {offsets = [8, 0], sizes = [8, 4096], strides = [1, 1]} : vector<16x4096xi32> to vector<8x4096xi32>
    %gt3A_169 = arith.cmpf ogt, %slice3A_166, %slice3A_165 : vector<8x4096xf32>
    %select_n3A_170 = arith.select %gt3A_169, %slice3A_166, %slice3A_165 : vector<8x4096xi1>, vector<8x4096xf32>
    %select_n3A_171 = arith.select %gt3A_169, %slice3A_168, %slice3A_167 : vector<8x4096xi1>, vector<8x4096xi32>
    %slice3A_172 = vector.extract_strided_slice %select_n3A_170 {offsets = [0, 0], sizes = [4, 4096], strides = [1, 1]} : vector<8x4096xf32> to vector<4x4096xf32>
    %slice3A_173 = vector.extract_strided_slice %select_n3A_170 {offsets = [4, 0], sizes = [4, 4096], strides = [1, 1]} : vector<8x4096xf32> to vector<4x4096xf32>
    %slice3A_174 = vector.extract_strided_slice %select_n3A_171 {offsets = [0, 0], sizes = [4, 4096], strides = [1, 1]} : vector<8x4096xi32> to vector<4x4096xi32>
    %slice3A_175 = vector.extract_strided_slice %select_n3A_171 {offsets = [4, 0], sizes = [4, 4096], strides = [1, 1]} : vector<8x4096xi32> to vector<4x4096xi32>
    %gt3A_176 = arith.cmpf ogt, %slice3A_173, %slice3A_172 : vector<4x4096xf32>
    %select_n3A_177 = arith.select %gt3A_176, %slice3A_173, %slice3A_172 : vector<4x4096xi1>, vector<4x4096xf32>
    %select_n3A_178 = arith.select %gt3A_176, %slice3A_175, %slice3A_174 : vector<4x4096xi1>, vector<4x4096xi32>
    %slice3A_179 = vector.extract_strided_slice %select_n3A_177 {offsets = [0, 0], sizes = [2, 4096], strides = [1, 1]} : vector<4x4096xf32> to vector<2x4096xf32>
    %slice3A_180 = vector.extract_strided_slice %select_n3A_177 {offsets = [2, 0], sizes = [2, 4096], strides = [1, 1]} : vector<4x4096xf32> to vector<2x4096xf32>
    %slice3A_181 = vector.extract_strided_slice %select_n3A_178 {offsets = [0, 0], sizes = [2, 4096], strides = [1, 1]} : vector<4x4096xi32> to vector<2x4096xi32>
    %slice3A_182 = vector.extract_strided_slice %select_n3A_178 {offsets = [2, 0], sizes = [2, 4096], strides = [1, 1]} : vector<4x4096xi32> to vector<2x4096xi32>
    %gt3A_183 = arith.cmpf ogt, %slice3A_180, %slice3A_179 : vector<2x4096xf32>
    %select_n3A_184 = arith.select %gt3A_183, %slice3A_180, %slice3A_179 : vector<2x4096xi1>, vector<2x4096xf32>
    %select_n3A_185 = arith.select %gt3A_183, %slice3A_182, %slice3A_181 : vector<2x4096xi1>, vector<2x4096xi32>
    %slice3A_186 = vector.extract_strided_slice %select_n3A_184 {offsets = [0, 0], sizes = [1, 4096], strides = [1, 1]} : vector<2x4096xf32> to vector<1x4096xf32>
    %slice3A_187 = vector.extract_strided_slice %select_n3A_184 {offsets = [1, 0], sizes = [1, 4096], strides = [1, 1]} : vector<2x4096xf32> to vector<1x4096xf32>
    %slice3A_188 = vector.extract_strided_slice %select_n3A_185 {offsets = [0, 0], sizes = [1, 4096], strides = [1, 1]} : vector<2x4096xi32> to vector<1x4096xi32>
    %slice3A_189 = vector.extract_strided_slice %select_n3A_185 {offsets = [1, 0], sizes = [1, 4096], strides = [1, 1]} : vector<2x4096xi32> to vector<1x4096xi32>
    %gt3A_190 = arith.cmpf ogt, %slice3A_187, %slice3A_186 : vector<1x4096xf32>
    %select_n3A_191 = arith.select %gt3A_190, %slice3A_187, %slice3A_186 : vector<1x4096xi1>, vector<1x4096xf32>
    %select_n3A_192 = arith.select %gt3A_190, %slice3A_189, %slice3A_188 : vector<1x4096xi1>, vector<1x4096xi32>
    %add3A_193 = arith.addf %add3A_132, %select_n3A_191 : vector<1x4096xf32>
    %add3A_194 = arith.constant 512 : i32
    %add3A_195 = vector.broadcast %add3A_194 : i32 to vector<1x4096xi32>
    %add3A_196 = arith.addi %select_n3A_192, %add3A_195 : vector<1x4096xi32>
    %slice3A_197 = vector.extract_strided_slice %sub3A_11 {offsets = [768, 0], sizes = [256, 4096], strides = [1, 1]} : vector<2048x4096xf32> to vector<256x4096xf32>
    %slice3A_198 = vector.extract_strided_slice %slice3A_197 {offsets = [0, 0], sizes = [128, 4096], strides = [1, 1]} : vector<256x4096xf32> to vector<128x4096xf32>
    %slice3A_199 = vector.extract_strided_slice %slice3A_197 {offsets = [128, 0], sizes = [128, 4096], strides = [1, 1]} : vector<256x4096xf32> to vector<128x4096xf32>
    %slice3A_200 = vector.extract_strided_slice %iota3A {offsets = [0, 0], sizes = [128, 4096], strides = [1, 1]} : vector<256x4096xi32> to vector<128x4096xi32>
    %slice3A_201 = vector.extract_strided_slice %iota3A {offsets = [128, 0], sizes = [128, 4096], strides = [1, 1]} : vector<256x4096xi32> to vector<128x4096xi32>
    %gt3A_202 = arith.cmpf ogt, %slice3A_199, %slice3A_198 : vector<128x4096xf32>
    %select_n3A_203 = arith.select %gt3A_202, %slice3A_199, %slice3A_198 : vector<128x4096xi1>, vector<128x4096xf32>
    %select_n3A_204 = arith.select %gt3A_202, %slice3A_201, %slice3A_200 : vector<128x4096xi1>, vector<128x4096xi32>
    %slice3A_205 = vector.extract_strided_slice %select_n3A_203 {offsets = [0, 0], sizes = [64, 4096], strides = [1, 1]} : vector<128x4096xf32> to vector<64x4096xf32>
    %slice3A_206 = vector.extract_strided_slice %select_n3A_203 {offsets = [64, 0], sizes = [64, 4096], strides = [1, 1]} : vector<128x4096xf32> to vector<64x4096xf32>
    %slice3A_207 = vector.extract_strided_slice %select_n3A_204 {offsets = [0, 0], sizes = [64, 4096], strides = [1, 1]} : vector<128x4096xi32> to vector<64x4096xi32>
    %slice3A_208 = vector.extract_strided_slice %select_n3A_204 {offsets = [64, 0], sizes = [64, 4096], strides = [1, 1]} : vector<128x4096xi32> to vector<64x4096xi32>
    %gt3A_209 = arith.cmpf ogt, %slice3A_206, %slice3A_205 : vector<64x4096xf32>
    %select_n3A_210 = arith.select %gt3A_209, %slice3A_206, %slice3A_205 : vector<64x4096xi1>, vector<64x4096xf32>
    %select_n3A_211 = arith.select %gt3A_209, %slice3A_208, %slice3A_207 : vector<64x4096xi1>, vector<64x4096xi32>
    %slice3A_212 = vector.extract_strided_slice %select_n3A_210 {offsets = [0, 0], sizes = [32, 4096], strides = [1, 1]} : vector<64x4096xf32> to vector<32x4096xf32>
    %slice3A_213 = vector.extract_strided_slice %select_n3A_210 {offsets = [32, 0], sizes = [32, 4096], strides = [1, 1]} : vector<64x4096xf32> to vector<32x4096xf32>
    %slice3A_214 = vector.extract_strided_slice %select_n3A_211 {offsets = [0, 0], sizes = [32, 4096], strides = [1, 1]} : vector<64x4096xi32> to vector<32x4096xi32>
    %slice3A_215 = vector.extract_strided_slice %select_n3A_211 {offsets = [32, 0], sizes = [32, 4096], strides = [1, 1]} : vector<64x4096xi32> to vector<32x4096xi32>
    %gt3A_216 = arith.cmpf ogt, %slice3A_213, %slice3A_212 : vector<32x4096xf32>
    %select_n3A_217 = arith.select %gt3A_216, %slice3A_213, %slice3A_212 : vector<32x4096xi1>, vector<32x4096xf32>
    %select_n3A_218 = arith.select %gt3A_216, %slice3A_215, %slice3A_214 : vector<32x4096xi1>, vector<32x4096xi32>
    %slice3A_219 = vector.extract_strided_slice %select_n3A_217 {offsets = [0, 0], sizes = [16, 4096], strides = [1, 1]} : vector<32x4096xf32> to vector<16x4096xf32>
    %slice3A_220 = vector.extract_strided_slice %select_n3A_217 {offsets = [16, 0], sizes = [16, 4096], strides = [1, 1]} : vector<32x4096xf32> to vector<16x4096xf32>
    %slice3A_221 = vector.extract_strided_slice %select_n3A_218 {offsets = [0, 0], sizes = [16, 4096], strides = [1, 1]} : vector<32x4096xi32> to vector<16x4096xi32>
    %slice3A_222 = vector.extract_strided_slice %select_n3A_218 {offsets = [16, 0], sizes = [16, 4096], strides = [1, 1]} : vector<32x4096xi32> to vector<16x4096xi32>
    %gt3A_223 = arith.cmpf ogt, %slice3A_220, %slice3A_219 : vector<16x4096xf32>
    %select_n3A_224 = arith.select %gt3A_223, %slice3A_220, %slice3A_219 : vector<16x4096xi1>, vector<16x4096xf32>
    %select_n3A_225 = arith.select %gt3A_223, %slice3A_222, %slice3A_221 : vector<16x4096xi1>, vector<16x4096xi32>
    %slice3A_226 = vector.extract_strided_slice %select_n3A_224 {offsets = [0, 0], sizes = [8, 4096], strides = [1, 1]} : vector<16x4096xf32> to vector<8x4096xf32>
    %slice3A_227 = vector.extract_strided_slice %select_n3A_224 {offsets = [8, 0], sizes = [8, 4096], strides = [1, 1]} : vector<16x4096xf32> to vector<8x4096xf32>
    %slice3A_228 = vector.extract_strided_slice %select_n3A_225 {offsets = [0, 0], sizes = [8, 4096], strides = [1, 1]} : vector<16x4096xi32> to vector<8x4096xi32>
    %slice3A_229 = vector.extract_strided_slice %select_n3A_225 {offsets = [8, 0], sizes = [8, 4096], strides = [1, 1]} : vector<16x4096xi32> to vector<8x4096xi32>
    %gt3A_230 = arith.cmpf ogt, %slice3A_227, %slice3A_226 : vector<8x4096xf32>
    %select_n3A_231 = arith.select %gt3A_230, %slice3A_227, %slice3A_226 : vector<8x4096xi1>, vector<8x4096xf32>
    %select_n3A_232 = arith.select %gt3A_230, %slice3A_229, %slice3A_228 : vector<8x4096xi1>, vector<8x4096xi32>
    %slice3A_233 = vector.extract_strided_slice %select_n3A_231 {offsets = [0, 0], sizes = [4, 4096], strides = [1, 1]} : vector<8x4096xf32> to vector<4x4096xf32>
    %slice3A_234 = vector.extract_strided_slice %select_n3A_231 {offsets = [4, 0], sizes = [4, 4096], strides = [1, 1]} : vector<8x4096xf32> to vector<4x4096xf32>
    %slice3A_235 = vector.extract_strided_slice %select_n3A_232 {offsets = [0, 0], sizes = [4, 4096], strides = [1, 1]} : vector<8x4096xi32> to vector<4x4096xi32>
    %slice3A_236 = vector.extract_strided_slice %select_n3A_232 {offsets = [4, 0], sizes = [4, 4096], strides = [1, 1]} : vector<8x4096xi32> to vector<4x4096xi32>
    %gt3A_237 = arith.cmpf ogt, %slice3A_234, %slice3A_233 : vector<4x4096xf32>
    %select_n3A_238 = arith.select %gt3A_237, %slice3A_234, %slice3A_233 : vector<4x4096xi1>, vector<4x4096xf32>
    %select_n3A_239 = arith.select %gt3A_237, %slice3A_236, %slice3A_235 : vector<4x4096xi1>, vector<4x4096xi32>
    %slice3A_240 = vector.extract_strided_slice %select_n3A_238 {offsets = [0, 0], sizes = [2, 4096], strides = [1, 1]} : vector<4x4096xf32> to vector<2x4096xf32>
    %slice3A_241 = vector.extract_strided_slice %select_n3A_238 {offsets = [2, 0], sizes = [2, 4096], strides = [1, 1]} : vector<4x4096xf32> to vector<2x4096xf32>
    %slice3A_242 = vector.extract_strided_slice %select_n3A_239 {offsets = [0, 0], sizes = [2, 4096], strides = [1, 1]} : vector<4x4096xi32> to vector<2x4096xi32>
    %slice3A_243 = vector.extract_strided_slice %select_n3A_239 {offsets = [2, 0], sizes = [2, 4096], strides = [1, 1]} : vector<4x4096xi32> to vector<2x4096xi32>
    %gt3A_244 = arith.cmpf ogt, %slice3A_241, %slice3A_240 : vector<2x4096xf32>
    %select_n3A_245 = arith.select %gt3A_244, %slice3A_241, %slice3A_240 : vector<2x4096xi1>, vector<2x4096xf32>
    %select_n3A_246 = arith.select %gt3A_244, %slice3A_243, %slice3A_242 : vector<2x4096xi1>, vector<2x4096xi32>
    %slice3A_247 = vector.extract_strided_slice %select_n3A_245 {offsets = [0, 0], sizes = [1, 4096], strides = [1, 1]} : vector<2x4096xf32> to vector<1x4096xf32>
    %slice3A_248 = vector.extract_strided_slice %select_n3A_245 {offsets = [1, 0], sizes = [1, 4096], strides = [1, 1]} : vector<2x4096xf32> to vector<1x4096xf32>
    %slice3A_249 = vector.extract_strided_slice %select_n3A_246 {offsets = [0, 0], sizes = [1, 4096], strides = [1, 1]} : vector<2x4096xi32> to vector<1x4096xi32>
    %slice3A_250 = vector.extract_strided_slice %select_n3A_246 {offsets = [1, 0], sizes = [1, 4096], strides = [1, 1]} : vector<2x4096xi32> to vector<1x4096xi32>
    %gt3A_251 = arith.cmpf ogt, %slice3A_248, %slice3A_247 : vector<1x4096xf32>
    %select_n3A_252 = arith.select %gt3A_251, %slice3A_248, %slice3A_247 : vector<1x4096xi1>, vector<1x4096xf32>
    %select_n3A_253 = arith.select %gt3A_251, %slice3A_250, %slice3A_249 : vector<1x4096xi1>, vector<1x4096xi32>
    %add3A_254 = arith.addf %add3A_193, %select_n3A_252 : vector<1x4096xf32>
    %add3A_255 = arith.constant 768 : i32
    %add3A_256 = vector.broadcast %add3A_255 : i32 to vector<1x4096xi32>
    %add3A_257 = arith.addi %select_n3A_253, %add3A_256 : vector<1x4096xi32>
    %slice3A_258 = vector.extract_strided_slice %sub3A_11 {offsets = [1024, 0], sizes = [256, 4096], strides = [1, 1]} : vector<2048x4096xf32> to vector<256x4096xf32>
    %slice3A_259 = vector.extract_strided_slice %slice3A_258 {offsets = [0, 0], sizes = [128, 4096], strides = [1, 1]} : vector<256x4096xf32> to vector<128x4096xf32>
    %slice3A_260 = vector.extract_strided_slice %slice3A_258 {offsets = [128, 0], sizes = [128, 4096], strides = [1, 1]} : vector<256x4096xf32> to vector<128x4096xf32>
    %slice3A_261 = vector.extract_strided_slice %iota3A {offsets = [0, 0], sizes = [128, 4096], strides = [1, 1]} : vector<256x4096xi32> to vector<128x4096xi32>
    %slice3A_262 = vector.extract_strided_slice %iota3A {offsets = [128, 0], sizes = [128, 4096], strides = [1, 1]} : vector<256x4096xi32> to vector<128x4096xi32>
    %gt3A_263 = arith.cmpf ogt, %slice3A_260, %slice3A_259 : vector<128x4096xf32>
    %select_n3A_264 = arith.select %gt3A_263, %slice3A_260, %slice3A_259 : vector<128x4096xi1>, vector<128x4096xf32>
    %select_n3A_265 = arith.select %gt3A_263, %slice3A_262, %slice3A_261 : vector<128x4096xi1>, vector<128x4096xi32>
    %slice3A_266 = vector.extract_strided_slice %select_n3A_264 {offsets = [0, 0], sizes = [64, 4096], strides = [1, 1]} : vector<128x4096xf32> to vector<64x4096xf32>
    %slice3A_267 = vector.extract_strided_slice %select_n3A_264 {offsets = [64, 0], sizes = [64, 4096], strides = [1, 1]} : vector<128x4096xf32> to vector<64x4096xf32>
    %slice3A_268 = vector.extract_strided_slice %select_n3A_265 {offsets = [0, 0], sizes = [64, 4096], strides = [1, 1]} : vector<128x4096xi32> to vector<64x4096xi32>
    %slice3A_269 = vector.extract_strided_slice %select_n3A_265 {offsets = [64, 0], sizes = [64, 4096], strides = [1, 1]} : vector<128x4096xi32> to vector<64x4096xi32>
    %gt3A_270 = arith.cmpf ogt, %slice3A_267, %slice3A_266 : vector<64x4096xf32>
    %select_n3A_271 = arith.select %gt3A_270, %slice3A_267, %slice3A_266 : vector<64x4096xi1>, vector<64x4096xf32>
    %select_n3A_272 = arith.select %gt3A_270, %slice3A_269, %slice3A_268 : vector<64x4096xi1>, vector<64x4096xi32>
    %slice3A_273 = vector.extract_strided_slice %select_n3A_271 {offsets = [0, 0], sizes = [32, 4096], strides = [1, 1]} : vector<64x4096xf32> to vector<32x4096xf32>
    %slice3A_274 = vector.extract_strided_slice %select_n3A_271 {offsets = [32, 0], sizes = [32, 4096], strides = [1, 1]} : vector<64x4096xf32> to vector<32x4096xf32>
    %slice3A_275 = vector.extract_strided_slice %select_n3A_272 {offsets = [0, 0], sizes = [32, 4096], strides = [1, 1]} : vector<64x4096xi32> to vector<32x4096xi32>
    %slice3A_276 = vector.extract_strided_slice %select_n3A_272 {offsets = [32, 0], sizes = [32, 4096], strides = [1, 1]} : vector<64x4096xi32> to vector<32x4096xi32>
    %gt3A_277 = arith.cmpf ogt, %slice3A_274, %slice3A_273 : vector<32x4096xf32>
    %select_n3A_278 = arith.select %gt3A_277, %slice3A_274, %slice3A_273 : vector<32x4096xi1>, vector<32x4096xf32>
    %select_n3A_279 = arith.select %gt3A_277, %slice3A_276, %slice3A_275 : vector<32x4096xi1>, vector<32x4096xi32>
    %slice3A_280 = vector.extract_strided_slice %select_n3A_278 {offsets = [0, 0], sizes = [16, 4096], strides = [1, 1]} : vector<32x4096xf32> to vector<16x4096xf32>
    %slice3A_281 = vector.extract_strided_slice %select_n3A_278 {offsets = [16, 0], sizes = [16, 4096], strides = [1, 1]} : vector<32x4096xf32> to vector<16x4096xf32>
    %slice3A_282 = vector.extract_strided_slice %select_n3A_279 {offsets = [0, 0], sizes = [16, 4096], strides = [1, 1]} : vector<32x4096xi32> to vector<16x4096xi32>
    %slice3A_283 = vector.extract_strided_slice %select_n3A_279 {offsets = [16, 0], sizes = [16, 4096], strides = [1, 1]} : vector<32x4096xi32> to vector<16x4096xi32>
    %gt3A_284 = arith.cmpf ogt, %slice3A_281, %slice3A_280 : vector<16x4096xf32>
    %select_n3A_285 = arith.select %gt3A_284, %slice3A_281, %slice3A_280 : vector<16x4096xi1>, vector<16x4096xf32>
    %select_n3A_286 = arith.select %gt3A_284, %slice3A_283, %slice3A_282 : vector<16x4096xi1>, vector<16x4096xi32>
    %slice3A_287 = vector.extract_strided_slice %select_n3A_285 {offsets = [0, 0], sizes = [8, 4096], strides = [1, 1]} : vector<16x4096xf32> to vector<8x4096xf32>
    %slice3A_288 = vector.extract_strided_slice %select_n3A_285 {offsets = [8, 0], sizes = [8, 4096], strides = [1, 1]} : vector<16x4096xf32> to vector<8x4096xf32>
    %slice3A_289 = vector.extract_strided_slice %select_n3A_286 {offsets = [0, 0], sizes = [8, 4096], strides = [1, 1]} : vector<16x4096xi32> to vector<8x4096xi32>
    %slice3A_290 = vector.extract_strided_slice %select_n3A_286 {offsets = [8, 0], sizes = [8, 4096], strides = [1, 1]} : vector<16x4096xi32> to vector<8x4096xi32>
    %gt3A_291 = arith.cmpf ogt, %slice3A_288, %slice3A_287 : vector<8x4096xf32>
    %select_n3A_292 = arith.select %gt3A_291, %slice3A_288, %slice3A_287 : vector<8x4096xi1>, vector<8x4096xf32>
    %select_n3A_293 = arith.select %gt3A_291, %slice3A_290, %slice3A_289 : vector<8x4096xi1>, vector<8x4096xi32>
    %slice3A_294 = vector.extract_strided_slice %select_n3A_292 {offsets = [0, 0], sizes = [4, 4096], strides = [1, 1]} : vector<8x4096xf32> to vector<4x4096xf32>
    %slice3A_295 = vector.extract_strided_slice %select_n3A_292 {offsets = [4, 0], sizes = [4, 4096], strides = [1, 1]} : vector<8x4096xf32> to vector<4x4096xf32>
    %slice3A_296 = vector.extract_strided_slice %select_n3A_293 {offsets = [0, 0], sizes = [4, 4096], strides = [1, 1]} : vector<8x4096xi32> to vector<4x4096xi32>
    %slice3A_297 = vector.extract_strided_slice %select_n3A_293 {offsets = [4, 0], sizes = [4, 4096], strides = [1, 1]} : vector<8x4096xi32> to vector<4x4096xi32>
    %gt3A_298 = arith.cmpf ogt, %slice3A_295, %slice3A_294 : vector<4x4096xf32>
    %select_n3A_299 = arith.select %gt3A_298, %slice3A_295, %slice3A_294 : vector<4x4096xi1>, vector<4x4096xf32>
    %select_n3A_300 = arith.select %gt3A_298, %slice3A_297, %slice3A_296 : vector<4x4096xi1>, vector<4x4096xi32>
    %slice3A_301 = vector.extract_strided_slice %select_n3A_299 {offsets = [0, 0], sizes = [2, 4096], strides = [1, 1]} : vector<4x4096xf32> to vector<2x4096xf32>
    %slice3A_302 = vector.extract_strided_slice %select_n3A_299 {offsets = [2, 0], sizes = [2, 4096], strides = [1, 1]} : vector<4x4096xf32> to vector<2x4096xf32>
    %slice3A_303 = vector.extract_strided_slice %select_n3A_300 {offsets = [0, 0], sizes = [2, 4096], strides = [1, 1]} : vector<4x4096xi32> to vector<2x4096xi32>
    %slice3A_304 = vector.extract_strided_slice %select_n3A_300 {offsets = [2, 0], sizes = [2, 4096], strides = [1, 1]} : vector<4x4096xi32> to vector<2x4096xi32>
    %gt3A_305 = arith.cmpf ogt, %slice3A_302, %slice3A_301 : vector<2x4096xf32>
    %select_n3A_306 = arith.select %gt3A_305, %slice3A_302, %slice3A_301 : vector<2x4096xi1>, vector<2x4096xf32>
    %select_n3A_307 = arith.select %gt3A_305, %slice3A_304, %slice3A_303 : vector<2x4096xi1>, vector<2x4096xi32>
    %slice3A_308 = vector.extract_strided_slice %select_n3A_306 {offsets = [0, 0], sizes = [1, 4096], strides = [1, 1]} : vector<2x4096xf32> to vector<1x4096xf32>
    %slice3A_309 = vector.extract_strided_slice %select_n3A_306 {offsets = [1, 0], sizes = [1, 4096], strides = [1, 1]} : vector<2x4096xf32> to vector<1x4096xf32>
    %slice3A_310 = vector.extract_strided_slice %select_n3A_307 {offsets = [0, 0], sizes = [1, 4096], strides = [1, 1]} : vector<2x4096xi32> to vector<1x4096xi32>
    %slice3A_311 = vector.extract_strided_slice %select_n3A_307 {offsets = [1, 0], sizes = [1, 4096], strides = [1, 1]} : vector<2x4096xi32> to vector<1x4096xi32>
    %gt3A_312 = arith.cmpf ogt, %slice3A_309, %slice3A_308 : vector<1x4096xf32>
    %select_n3A_313 = arith.select %gt3A_312, %slice3A_309, %slice3A_308 : vector<1x4096xi1>, vector<1x4096xf32>
    %select_n3A_314 = arith.select %gt3A_312, %slice3A_311, %slice3A_310 : vector<1x4096xi1>, vector<1x4096xi32>
    %add3A_315 = arith.addf %add3A_254, %select_n3A_313 : vector<1x4096xf32>
    %add3A_316 = arith.constant 1024 : i32
    %add3A_317 = vector.broadcast %add3A_316 : i32 to vector<1x4096xi32>
    %add3A_318 = arith.addi %select_n3A_314, %add3A_317 : vector<1x4096xi32>
    %slice3A_319 = vector.extract_strided_slice %sub3A_11 {offsets = [1280, 0], sizes = [256, 4096], strides = [1, 1]} : vector<2048x4096xf32> to vector<256x4096xf32>
    %slice3A_320 = vector.extract_strided_slice %slice3A_319 {offsets = [0, 0], sizes = [128, 4096], strides = [1, 1]} : vector<256x4096xf32> to vector<128x4096xf32>
    %slice3A_321 = vector.extract_strided_slice %slice3A_319 {offsets = [128, 0], sizes = [128, 4096], strides = [1, 1]} : vector<256x4096xf32> to vector<128x4096xf32>
    %slice3A_322 = vector.extract_strided_slice %iota3A {offsets = [0, 0], sizes = [128, 4096], strides = [1, 1]} : vector<256x4096xi32> to vector<128x4096xi32>
    %slice3A_323 = vector.extract_strided_slice %iota3A {offsets = [128, 0], sizes = [128, 4096], strides = [1, 1]} : vector<256x4096xi32> to vector<128x4096xi32>
    %gt3A_324 = arith.cmpf ogt, %slice3A_321, %slice3A_320 : vector<128x4096xf32>
    %select_n3A_325 = arith.select %gt3A_324, %slice3A_321, %slice3A_320 : vector<128x4096xi1>, vector<128x4096xf32>
    %select_n3A_326 = arith.select %gt3A_324, %slice3A_323, %slice3A_322 : vector<128x4096xi1>, vector<128x4096xi32>
    %slice3A_327 = vector.extract_strided_slice %select_n3A_325 {offsets = [0, 0], sizes = [64, 4096], strides = [1, 1]} : vector<128x4096xf32> to vector<64x4096xf32>
    %slice3A_328 = vector.extract_strided_slice %select_n3A_325 {offsets = [64, 0], sizes = [64, 4096], strides = [1, 1]} : vector<128x4096xf32> to vector<64x4096xf32>
    %slice3A_329 = vector.extract_strided_slice %select_n3A_326 {offsets = [0, 0], sizes = [64, 4096], strides = [1, 1]} : vector<128x4096xi32> to vector<64x4096xi32>
    %slice3A_330 = vector.extract_strided_slice %select_n3A_326 {offsets = [64, 0], sizes = [64, 4096], strides = [1, 1]} : vector<128x4096xi32> to vector<64x4096xi32>
    %gt3A_331 = arith.cmpf ogt, %slice3A_328, %slice3A_327 : vector<64x4096xf32>
    %select_n3A_332 = arith.select %gt3A_331, %slice3A_328, %slice3A_327 : vector<64x4096xi1>, vector<64x4096xf32>
    %select_n3A_333 = arith.select %gt3A_331, %slice3A_330, %slice3A_329 : vector<64x4096xi1>, vector<64x4096xi32>
    %slice3A_334 = vector.extract_strided_slice %select_n3A_332 {offsets = [0, 0], sizes = [32, 4096], strides = [1, 1]} : vector<64x4096xf32> to vector<32x4096xf32>
    %slice3A_335 = vector.extract_strided_slice %select_n3A_332 {offsets = [32, 0], sizes = [32, 4096], strides = [1, 1]} : vector<64x4096xf32> to vector<32x4096xf32>
    %slice3A_336 = vector.extract_strided_slice %select_n3A_333 {offsets = [0, 0], sizes = [32, 4096], strides = [1, 1]} : vector<64x4096xi32> to vector<32x4096xi32>
    %slice3A_337 = vector.extract_strided_slice %select_n3A_333 {offsets = [32, 0], sizes = [32, 4096], strides = [1, 1]} : vector<64x4096xi32> to vector<32x4096xi32>
    %gt3A_338 = arith.cmpf ogt, %slice3A_335, %slice3A_334 : vector<32x4096xf32>
    %select_n3A_339 = arith.select %gt3A_338, %slice3A_335, %slice3A_334 : vector<32x4096xi1>, vector<32x4096xf32>
    %select_n3A_340 = arith.select %gt3A_338, %slice3A_337, %slice3A_336 : vector<32x4096xi1>, vector<32x4096xi32>
    %slice3A_341 = vector.extract_strided_slice %select_n3A_339 {offsets = [0, 0], sizes = [16, 4096], strides = [1, 1]} : vector<32x4096xf32> to vector<16x4096xf32>
    %slice3A_342 = vector.extract_strided_slice %select_n3A_339 {offsets = [16, 0], sizes = [16, 4096], strides = [1, 1]} : vector<32x4096xf32> to vector<16x4096xf32>
    %slice3A_343 = vector.extract_strided_slice %select_n3A_340 {offsets = [0, 0], sizes = [16, 4096], strides = [1, 1]} : vector<32x4096xi32> to vector<16x4096xi32>
    %slice3A_344 = vector.extract_strided_slice %select_n3A_340 {offsets = [16, 0], sizes = [16, 4096], strides = [1, 1]} : vector<32x4096xi32> to vector<16x4096xi32>
    %gt3A_345 = arith.cmpf ogt, %slice3A_342, %slice3A_341 : vector<16x4096xf32>
    %select_n3A_346 = arith.select %gt3A_345, %slice3A_342, %slice3A_341 : vector<16x4096xi1>, vector<16x4096xf32>
    %select_n3A_347 = arith.select %gt3A_345, %slice3A_344, %slice3A_343 : vector<16x4096xi1>, vector<16x4096xi32>
    %slice3A_348 = vector.extract_strided_slice %select_n3A_346 {offsets = [0, 0], sizes = [8, 4096], strides = [1, 1]} : vector<16x4096xf32> to vector<8x4096xf32>
    %slice3A_349 = vector.extract_strided_slice %select_n3A_346 {offsets = [8, 0], sizes = [8, 4096], strides = [1, 1]} : vector<16x4096xf32> to vector<8x4096xf32>
    %slice3A_350 = vector.extract_strided_slice %select_n3A_347 {offsets = [0, 0], sizes = [8, 4096], strides = [1, 1]} : vector<16x4096xi32> to vector<8x4096xi32>
    %slice3A_351 = vector.extract_strided_slice %select_n3A_347 {offsets = [8, 0], sizes = [8, 4096], strides = [1, 1]} : vector<16x4096xi32> to vector<8x4096xi32>
    %gt3A_352 = arith.cmpf ogt, %slice3A_349, %slice3A_348 : vector<8x4096xf32>
    %select_n3A_353 = arith.select %gt3A_352, %slice3A_349, %slice3A_348 : vector<8x4096xi1>, vector<8x4096xf32>
    %select_n3A_354 = arith.select %gt3A_352, %slice3A_351, %slice3A_350 : vector<8x4096xi1>, vector<8x4096xi32>
    %slice3A_355 = vector.extract_strided_slice %select_n3A_353 {offsets = [0, 0], sizes = [4, 4096], strides = [1, 1]} : vector<8x4096xf32> to vector<4x4096xf32>
    %slice3A_356 = vector.extract_strided_slice %select_n3A_353 {offsets = [4, 0], sizes = [4, 4096], strides = [1, 1]} : vector<8x4096xf32> to vector<4x4096xf32>
    %slice3A_357 = vector.extract_strided_slice %select_n3A_354 {offsets = [0, 0], sizes = [4, 4096], strides = [1, 1]} : vector<8x4096xi32> to vector<4x4096xi32>
    %slice3A_358 = vector.extract_strided_slice %select_n3A_354 {offsets = [4, 0], sizes = [4, 4096], strides = [1, 1]} : vector<8x4096xi32> to vector<4x4096xi32>
    %gt3A_359 = arith.cmpf ogt, %slice3A_356, %slice3A_355 : vector<4x4096xf32>
    %select_n3A_360 = arith.select %gt3A_359, %slice3A_356, %slice3A_355 : vector<4x4096xi1>, vector<4x4096xf32>
    %select_n3A_361 = arith.select %gt3A_359, %slice3A_358, %slice3A_357 : vector<4x4096xi1>, vector<4x4096xi32>
    %slice3A_362 = vector.extract_strided_slice %select_n3A_360 {offsets = [0, 0], sizes = [2, 4096], strides = [1, 1]} : vector<4x4096xf32> to vector<2x4096xf32>
    %slice3A_363 = vector.extract_strided_slice %select_n3A_360 {offsets = [2, 0], sizes = [2, 4096], strides = [1, 1]} : vector<4x4096xf32> to vector<2x4096xf32>
    %slice3A_364 = vector.extract_strided_slice %select_n3A_361 {offsets = [0, 0], sizes = [2, 4096], strides = [1, 1]} : vector<4x4096xi32> to vector<2x4096xi32>
    %slice3A_365 = vector.extract_strided_slice %select_n3A_361 {offsets = [2, 0], sizes = [2, 4096], strides = [1, 1]} : vector<4x4096xi32> to vector<2x4096xi32>
    %gt3A_366 = arith.cmpf ogt, %slice3A_363, %slice3A_362 : vector<2x4096xf32>
    %select_n3A_367 = arith.select %gt3A_366, %slice3A_363, %slice3A_362 : vector<2x4096xi1>, vector<2x4096xf32>
    %select_n3A_368 = arith.select %gt3A_366, %slice3A_365, %slice3A_364 : vector<2x4096xi1>, vector<2x4096xi32>
    %slice3A_369 = vector.extract_strided_slice %select_n3A_367 {offsets = [0, 0], sizes = [1, 4096], strides = [1, 1]} : vector<2x4096xf32> to vector<1x4096xf32>
    %slice3A_370 = vector.extract_strided_slice %select_n3A_367 {offsets = [1, 0], sizes = [1, 4096], strides = [1, 1]} : vector<2x4096xf32> to vector<1x4096xf32>
    %slice3A_371 = vector.extract_strided_slice %select_n3A_368 {offsets = [0, 0], sizes = [1, 4096], strides = [1, 1]} : vector<2x4096xi32> to vector<1x4096xi32>
    %slice3A_372 = vector.extract_strided_slice %select_n3A_368 {offsets = [1, 0], sizes = [1, 4096], strides = [1, 1]} : vector<2x4096xi32> to vector<1x4096xi32>
    %gt3A_373 = arith.cmpf ogt, %slice3A_370, %slice3A_369 : vector<1x4096xf32>
    %select_n3A_374 = arith.select %gt3A_373, %slice3A_370, %slice3A_369 : vector<1x4096xi1>, vector<1x4096xf32>
    %select_n3A_375 = arith.select %gt3A_373, %slice3A_372, %slice3A_371 : vector<1x4096xi1>, vector<1x4096xi32>
    %add3A_376 = arith.addf %add3A_315, %select_n3A_374 : vector<1x4096xf32>
    %add3A_377 = arith.constant 1280 : i32
    %add3A_378 = vector.broadcast %add3A_377 : i32 to vector<1x4096xi32>
    %add3A_379 = arith.addi %select_n3A_375, %add3A_378 : vector<1x4096xi32>
    %slice3A_380 = vector.extract_strided_slice %sub3A_11 {offsets = [1536, 0], sizes = [256, 4096], strides = [1, 1]} : vector<2048x4096xf32> to vector<256x4096xf32>
    %slice3A_381 = vector.extract_strided_slice %slice3A_380 {offsets = [0, 0], sizes = [128, 4096], strides = [1, 1]} : vector<256x4096xf32> to vector<128x4096xf32>
    %slice3A_382 = vector.extract_strided_slice %slice3A_380 {offsets = [128, 0], sizes = [128, 4096], strides = [1, 1]} : vector<256x4096xf32> to vector<128x4096xf32>
    %slice3A_383 = vector.extract_strided_slice %iota3A {offsets = [0, 0], sizes = [128, 4096], strides = [1, 1]} : vector<256x4096xi32> to vector<128x4096xi32>
    %slice3A_384 = vector.extract_strided_slice %iota3A {offsets = [128, 0], sizes = [128, 4096], strides = [1, 1]} : vector<256x4096xi32> to vector<128x4096xi32>
    %gt3A_385 = arith.cmpf ogt, %slice3A_382, %slice3A_381 : vector<128x4096xf32>
    %select_n3A_386 = arith.select %gt3A_385, %slice3A_382, %slice3A_381 : vector<128x4096xi1>, vector<128x4096xf32>
    %select_n3A_387 = arith.select %gt3A_385, %slice3A_384, %slice3A_383 : vector<128x4096xi1>, vector<128x4096xi32>
    %slice3A_388 = vector.extract_strided_slice %select_n3A_386 {offsets = [0, 0], sizes = [64, 4096], strides = [1, 1]} : vector<128x4096xf32> to vector<64x4096xf32>
    %slice3A_389 = vector.extract_strided_slice %select_n3A_386 {offsets = [64, 0], sizes = [64, 4096], strides = [1, 1]} : vector<128x4096xf32> to vector<64x4096xf32>
    %slice3A_390 = vector.extract_strided_slice %select_n3A_387 {offsets = [0, 0], sizes = [64, 4096], strides = [1, 1]} : vector<128x4096xi32> to vector<64x4096xi32>
    %slice3A_391 = vector.extract_strided_slice %select_n3A_387 {offsets = [64, 0], sizes = [64, 4096], strides = [1, 1]} : vector<128x4096xi32> to vector<64x4096xi32>
    %gt3A_392 = arith.cmpf ogt, %slice3A_389, %slice3A_388 : vector<64x4096xf32>
    %select_n3A_393 = arith.select %gt3A_392, %slice3A_389, %slice3A_388 : vector<64x4096xi1>, vector<64x4096xf32>
    %select_n3A_394 = arith.select %gt3A_392, %slice3A_391, %slice3A_390 : vector<64x4096xi1>, vector<64x4096xi32>
    %slice3A_395 = vector.extract_strided_slice %select_n3A_393 {offsets = [0, 0], sizes = [32, 4096], strides = [1, 1]} : vector<64x4096xf32> to vector<32x4096xf32>
    %slice3A_396 = vector.extract_strided_slice %select_n3A_393 {offsets = [32, 0], sizes = [32, 4096], strides = [1, 1]} : vector<64x4096xf32> to vector<32x4096xf32>
    %slice3A_397 = vector.extract_strided_slice %select_n3A_394 {offsets = [0, 0], sizes = [32, 4096], strides = [1, 1]} : vector<64x4096xi32> to vector<32x4096xi32>
    %slice3A_398 = vector.extract_strided_slice %select_n3A_394 {offsets = [32, 0], sizes = [32, 4096], strides = [1, 1]} : vector<64x4096xi32> to vector<32x4096xi32>
    %gt3A_399 = arith.cmpf ogt, %slice3A_396, %slice3A_395 : vector<32x4096xf32>
    %select_n3A_400 = arith.select %gt3A_399, %slice3A_396, %slice3A_395 : vector<32x4096xi1>, vector<32x4096xf32>
    %select_n3A_401 = arith.select %gt3A_399, %slice3A_398, %slice3A_397 : vector<32x4096xi1>, vector<32x4096xi32>
    %slice3A_402 = vector.extract_strided_slice %select_n3A_400 {offsets = [0, 0], sizes = [16, 4096], strides = [1, 1]} : vector<32x4096xf32> to vector<16x4096xf32>
    %slice3A_403 = vector.extract_strided_slice %select_n3A_400 {offsets = [16, 0], sizes = [16, 4096], strides = [1, 1]} : vector<32x4096xf32> to vector<16x4096xf32>
    %slice3A_404 = vector.extract_strided_slice %select_n3A_401 {offsets = [0, 0], sizes = [16, 4096], strides = [1, 1]} : vector<32x4096xi32> to vector<16x4096xi32>
    %slice3A_405 = vector.extract_strided_slice %select_n3A_401 {offsets = [16, 0], sizes = [16, 4096], strides = [1, 1]} : vector<32x4096xi32> to vector<16x4096xi32>
    %gt3A_406 = arith.cmpf ogt, %slice3A_403, %slice3A_402 : vector<16x4096xf32>
    %select_n3A_407 = arith.select %gt3A_406, %slice3A_403, %slice3A_402 : vector<16x4096xi1>, vector<16x4096xf32>
    %select_n3A_408 = arith.select %gt3A_406, %slice3A_405, %slice3A_404 : vector<16x4096xi1>, vector<16x4096xi32>
    %slice3A_409 = vector.extract_strided_slice %select_n3A_407 {offsets = [0, 0], sizes = [8, 4096], strides = [1, 1]} : vector<16x4096xf32> to vector<8x4096xf32>
    %slice3A_410 = vector.extract_strided_slice %select_n3A_407 {offsets = [8, 0], sizes = [8, 4096], strides = [1, 1]} : vector<16x4096xf32> to vector<8x4096xf32>
    %slice3A_411 = vector.extract_strided_slice %select_n3A_408 {offsets = [0, 0], sizes = [8, 4096], strides = [1, 1]} : vector<16x4096xi32> to vector<8x4096xi32>
    %slice3A_412 = vector.extract_strided_slice %select_n3A_408 {offsets = [8, 0], sizes = [8, 4096], strides = [1, 1]} : vector<16x4096xi32> to vector<8x4096xi32>
    %gt3A_413 = arith.cmpf ogt, %slice3A_410, %slice3A_409 : vector<8x4096xf32>
    %select_n3A_414 = arith.select %gt3A_413, %slice3A_410, %slice3A_409 : vector<8x4096xi1>, vector<8x4096xf32>
    %select_n3A_415 = arith.select %gt3A_413, %slice3A_412, %slice3A_411 : vector<8x4096xi1>, vector<8x4096xi32>
    %slice3A_416 = vector.extract_strided_slice %select_n3A_414 {offsets = [0, 0], sizes = [4, 4096], strides = [1, 1]} : vector<8x4096xf32> to vector<4x4096xf32>
    %slice3A_417 = vector.extract_strided_slice %select_n3A_414 {offsets = [4, 0], sizes = [4, 4096], strides = [1, 1]} : vector<8x4096xf32> to vector<4x4096xf32>
    %slice3A_418 = vector.extract_strided_slice %select_n3A_415 {offsets = [0, 0], sizes = [4, 4096], strides = [1, 1]} : vector<8x4096xi32> to vector<4x4096xi32>
    %slice3A_419 = vector.extract_strided_slice %select_n3A_415 {offsets = [4, 0], sizes = [4, 4096], strides = [1, 1]} : vector<8x4096xi32> to vector<4x4096xi32>
    %gt3A_420 = arith.cmpf ogt, %slice3A_417, %slice3A_416 : vector<4x4096xf32>
    %select_n3A_421 = arith.select %gt3A_420, %slice3A_417, %slice3A_416 : vector<4x4096xi1>, vector<4x4096xf32>
    %select_n3A_422 = arith.select %gt3A_420, %slice3A_419, %slice3A_418 : vector<4x4096xi1>, vector<4x4096xi32>
    %slice3A_423 = vector.extract_strided_slice %select_n3A_421 {offsets = [0, 0], sizes = [2, 4096], strides = [1, 1]} : vector<4x4096xf32> to vector<2x4096xf32>
    %slice3A_424 = vector.extract_strided_slice %select_n3A_421 {offsets = [2, 0], sizes = [2, 4096], strides = [1, 1]} : vector<4x4096xf32> to vector<2x4096xf32>
    %slice3A_425 = vector.extract_strided_slice %select_n3A_422 {offsets = [0, 0], sizes = [2, 4096], strides = [1, 1]} : vector<4x4096xi32> to vector<2x4096xi32>
    %slice3A_426 = vector.extract_strided_slice %select_n3A_422 {offsets = [2, 0], sizes = [2, 4096], strides = [1, 1]} : vector<4x4096xi32> to vector<2x4096xi32>
    %gt3A_427 = arith.cmpf ogt, %slice3A_424, %slice3A_423 : vector<2x4096xf32>
    %select_n3A_428 = arith.select %gt3A_427, %slice3A_424, %slice3A_423 : vector<2x4096xi1>, vector<2x4096xf32>
    %select_n3A_429 = arith.select %gt3A_427, %slice3A_426, %slice3A_425 : vector<2x4096xi1>, vector<2x4096xi32>
    %slice3A_430 = vector.extract_strided_slice %select_n3A_428 {offsets = [0, 0], sizes = [1, 4096], strides = [1, 1]} : vector<2x4096xf32> to vector<1x4096xf32>
    %slice3A_431 = vector.extract_strided_slice %select_n3A_428 {offsets = [1, 0], sizes = [1, 4096], strides = [1, 1]} : vector<2x4096xf32> to vector<1x4096xf32>
    %slice3A_432 = vector.extract_strided_slice %select_n3A_429 {offsets = [0, 0], sizes = [1, 4096], strides = [1, 1]} : vector<2x4096xi32> to vector<1x4096xi32>
    %slice3A_433 = vector.extract_strided_slice %select_n3A_429 {offsets = [1, 0], sizes = [1, 4096], strides = [1, 1]} : vector<2x4096xi32> to vector<1x4096xi32>
    %gt3A_434 = arith.cmpf ogt, %slice3A_431, %slice3A_430 : vector<1x4096xf32>
    %select_n3A_435 = arith.select %gt3A_434, %slice3A_431, %slice3A_430 : vector<1x4096xi1>, vector<1x4096xf32>
    %select_n3A_436 = arith.select %gt3A_434, %slice3A_433, %slice3A_432 : vector<1x4096xi1>, vector<1x4096xi32>
    %add3A_437 = arith.addf %add3A_376, %select_n3A_435 : vector<1x4096xf32>
    %add3A_438 = arith.constant 1536 : i32
    %add3A_439 = vector.broadcast %add3A_438 : i32 to vector<1x4096xi32>
    %add3A_440 = arith.addi %select_n3A_436, %add3A_439 : vector<1x4096xi32>
    %slice3A_441 = vector.extract_strided_slice %sub3A_11 {offsets = [1792, 0], sizes = [256, 4096], strides = [1, 1]} : vector<2048x4096xf32> to vector<256x4096xf32>
    %slice3A_442 = vector.extract_strided_slice %slice3A_441 {offsets = [0, 0], sizes = [128, 4096], strides = [1, 1]} : vector<256x4096xf32> to vector<128x4096xf32>
    %slice3A_443 = vector.extract_strided_slice %slice3A_441 {offsets = [128, 0], sizes = [128, 4096], strides = [1, 1]} : vector<256x4096xf32> to vector<128x4096xf32>
    %slice3A_444 = vector.extract_strided_slice %iota3A {offsets = [0, 0], sizes = [128, 4096], strides = [1, 1]} : vector<256x4096xi32> to vector<128x4096xi32>
    %slice3A_445 = vector.extract_strided_slice %iota3A {offsets = [128, 0], sizes = [128, 4096], strides = [1, 1]} : vector<256x4096xi32> to vector<128x4096xi32>
    %gt3A_446 = arith.cmpf ogt, %slice3A_443, %slice3A_442 : vector<128x4096xf32>
    %select_n3A_447 = arith.select %gt3A_446, %slice3A_443, %slice3A_442 : vector<128x4096xi1>, vector<128x4096xf32>
    %select_n3A_448 = arith.select %gt3A_446, %slice3A_445, %slice3A_444 : vector<128x4096xi1>, vector<128x4096xi32>
    %slice3A_449 = vector.extract_strided_slice %select_n3A_447 {offsets = [0, 0], sizes = [64, 4096], strides = [1, 1]} : vector<128x4096xf32> to vector<64x4096xf32>
    %slice3A_450 = vector.extract_strided_slice %select_n3A_447 {offsets = [64, 0], sizes = [64, 4096], strides = [1, 1]} : vector<128x4096xf32> to vector<64x4096xf32>
    %slice3A_451 = vector.extract_strided_slice %select_n3A_448 {offsets = [0, 0], sizes = [64, 4096], strides = [1, 1]} : vector<128x4096xi32> to vector<64x4096xi32>
    %slice3A_452 = vector.extract_strided_slice %select_n3A_448 {offsets = [64, 0], sizes = [64, 4096], strides = [1, 1]} : vector<128x4096xi32> to vector<64x4096xi32>
    %gt3A_453 = arith.cmpf ogt, %slice3A_450, %slice3A_449 : vector<64x4096xf32>
    %select_n3A_454 = arith.select %gt3A_453, %slice3A_450, %slice3A_449 : vector<64x4096xi1>, vector<64x4096xf32>
    %select_n3A_455 = arith.select %gt3A_453, %slice3A_452, %slice3A_451 : vector<64x4096xi1>, vector<64x4096xi32>
    %slice3A_456 = vector.extract_strided_slice %select_n3A_454 {offsets = [0, 0], sizes = [32, 4096], strides = [1, 1]} : vector<64x4096xf32> to vector<32x4096xf32>
    %slice3A_457 = vector.extract_strided_slice %select_n3A_454 {offsets = [32, 0], sizes = [32, 4096], strides = [1, 1]} : vector<64x4096xf32> to vector<32x4096xf32>
    %slice3A_458 = vector.extract_strided_slice %select_n3A_455 {offsets = [0, 0], sizes = [32, 4096], strides = [1, 1]} : vector<64x4096xi32> to vector<32x4096xi32>
    %slice3A_459 = vector.extract_strided_slice %select_n3A_455 {offsets = [32, 0], sizes = [32, 4096], strides = [1, 1]} : vector<64x4096xi32> to vector<32x4096xi32>
    %gt3A_460 = arith.cmpf ogt, %slice3A_457, %slice3A_456 : vector<32x4096xf32>
    %select_n3A_461 = arith.select %gt3A_460, %slice3A_457, %slice3A_456 : vector<32x4096xi1>, vector<32x4096xf32>
    %select_n3A_462 = arith.select %gt3A_460, %slice3A_459, %slice3A_458 : vector<32x4096xi1>, vector<32x4096xi32>
    %slice3A_463 = vector.extract_strided_slice %select_n3A_461 {offsets = [0, 0], sizes = [16, 4096], strides = [1, 1]} : vector<32x4096xf32> to vector<16x4096xf32>
    %slice3A_464 = vector.extract_strided_slice %select_n3A_461 {offsets = [16, 0], sizes = [16, 4096], strides = [1, 1]} : vector<32x4096xf32> to vector<16x4096xf32>
    %slice3A_465 = vector.extract_strided_slice %select_n3A_462 {offsets = [0, 0], sizes = [16, 4096], strides = [1, 1]} : vector<32x4096xi32> to vector<16x4096xi32>
    %slice3A_466 = vector.extract_strided_slice %select_n3A_462 {offsets = [16, 0], sizes = [16, 4096], strides = [1, 1]} : vector<32x4096xi32> to vector<16x4096xi32>
    %gt3A_467 = arith.cmpf ogt, %slice3A_464, %slice3A_463 : vector<16x4096xf32>
    %select_n3A_468 = arith.select %gt3A_467, %slice3A_464, %slice3A_463 : vector<16x4096xi1>, vector<16x4096xf32>
    %select_n3A_469 = arith.select %gt3A_467, %slice3A_466, %slice3A_465 : vector<16x4096xi1>, vector<16x4096xi32>
    %slice3A_470 = vector.extract_strided_slice %select_n3A_468 {offsets = [0, 0], sizes = [8, 4096], strides = [1, 1]} : vector<16x4096xf32> to vector<8x4096xf32>
    %slice3A_471 = vector.extract_strided_slice %select_n3A_468 {offsets = [8, 0], sizes = [8, 4096], strides = [1, 1]} : vector<16x4096xf32> to vector<8x4096xf32>
    %slice3A_472 = vector.extract_strided_slice %select_n3A_469 {offsets = [0, 0], sizes = [8, 4096], strides = [1, 1]} : vector<16x4096xi32> to vector<8x4096xi32>
    %slice3A_473 = vector.extract_strided_slice %select_n3A_469 {offsets = [8, 0], sizes = [8, 4096], strides = [1, 1]} : vector<16x4096xi32> to vector<8x4096xi32>
    %gt3A_474 = arith.cmpf ogt, %slice3A_471, %slice3A_470 : vector<8x4096xf32>
    %select_n3A_475 = arith.select %gt3A_474, %slice3A_471, %slice3A_470 : vector<8x4096xi1>, vector<8x4096xf32>
    %select_n3A_476 = arith.select %gt3A_474, %slice3A_473, %slice3A_472 : vector<8x4096xi1>, vector<8x4096xi32>
    %slice3A_477 = vector.extract_strided_slice %select_n3A_475 {offsets = [0, 0], sizes = [4, 4096], strides = [1, 1]} : vector<8x4096xf32> to vector<4x4096xf32>
    %slice3A_478 = vector.extract_strided_slice %select_n3A_475 {offsets = [4, 0], sizes = [4, 4096], strides = [1, 1]} : vector<8x4096xf32> to vector<4x4096xf32>
    %slice3A_479 = vector.extract_strided_slice %select_n3A_476 {offsets = [0, 0], sizes = [4, 4096], strides = [1, 1]} : vector<8x4096xi32> to vector<4x4096xi32>
    %slice3A_480 = vector.extract_strided_slice %select_n3A_476 {offsets = [4, 0], sizes = [4, 4096], strides = [1, 1]} : vector<8x4096xi32> to vector<4x4096xi32>
    %gt3A_481 = arith.cmpf ogt, %slice3A_478, %slice3A_477 : vector<4x4096xf32>
    %select_n3A_482 = arith.select %gt3A_481, %slice3A_478, %slice3A_477 : vector<4x4096xi1>, vector<4x4096xf32>
    %select_n3A_483 = arith.select %gt3A_481, %slice3A_480, %slice3A_479 : vector<4x4096xi1>, vector<4x4096xi32>
    %slice3A_484 = vector.extract_strided_slice %select_n3A_482 {offsets = [0, 0], sizes = [2, 4096], strides = [1, 1]} : vector<4x4096xf32> to vector<2x4096xf32>
    %slice3A_485 = vector.extract_strided_slice %select_n3A_482 {offsets = [2, 0], sizes = [2, 4096], strides = [1, 1]} : vector<4x4096xf32> to vector<2x4096xf32>
    %slice3A_486 = vector.extract_strided_slice %select_n3A_483 {offsets = [0, 0], sizes = [2, 4096], strides = [1, 1]} : vector<4x4096xi32> to vector<2x4096xi32>
    %slice3A_487 = vector.extract_strided_slice %select_n3A_483 {offsets = [2, 0], sizes = [2, 4096], strides = [1, 1]} : vector<4x4096xi32> to vector<2x4096xi32>
    %gt3A_488 = arith.cmpf ogt, %slice3A_485, %slice3A_484 : vector<2x4096xf32>
    %select_n3A_489 = arith.select %gt3A_488, %slice3A_485, %slice3A_484 : vector<2x4096xi1>, vector<2x4096xf32>
    %select_n3A_490 = arith.select %gt3A_488, %slice3A_487, %slice3A_486 : vector<2x4096xi1>, vector<2x4096xi32>
    %slice3A_491 = vector.extract_strided_slice %select_n3A_489 {offsets = [0, 0], sizes = [1, 4096], strides = [1, 1]} : vector<2x4096xf32> to vector<1x4096xf32>
    %slice3A_492 = vector.extract_strided_slice %select_n3A_489 {offsets = [1, 0], sizes = [1, 4096], strides = [1, 1]} : vector<2x4096xf32> to vector<1x4096xf32>
    %slice3A_493 = vector.extract_strided_slice %select_n3A_490 {offsets = [0, 0], sizes = [1, 4096], strides = [1, 1]} : vector<2x4096xi32> to vector<1x4096xi32>
    %slice3A_494 = vector.extract_strided_slice %select_n3A_490 {offsets = [1, 0], sizes = [1, 4096], strides = [1, 1]} : vector<2x4096xi32> to vector<1x4096xi32>
    %gt3A_495 = arith.cmpf ogt, %slice3A_492, %slice3A_491 : vector<1x4096xf32>
    %select_n3A_496 = arith.select %gt3A_495, %slice3A_492, %slice3A_491 : vector<1x4096xi1>, vector<1x4096xf32>
    %select_n3A_497 = arith.select %gt3A_495, %slice3A_494, %slice3A_493 : vector<1x4096xi1>, vector<1x4096xi32>
    %add3A_498 = arith.addf %add3A_437, %select_n3A_496 : vector<1x4096xf32>
    %add3A_499 = arith.constant 1792 : i32
    %add3A_500 = vector.broadcast %add3A_499 : i32 to vector<1x4096xi32>
    %add3A_501 = arith.addi %select_n3A_497, %add3A_500 : vector<1x4096xi32>
    %concatenate3A = tpu.concatenate %add3A_74, %add3A_135, %add3A_196, %add3A_257, %add3A_318, %add3A_379, %add3A_440, %add3A_501 in 0 : vector<1x4096xi32>, vector<1x4096xi32>, vector<1x4096xi32>, vector<1x4096xi32>, vector<1x4096xi32>, vector<1x4096xi32>, vector<1x4096xi32>, vector<1x4096xi32> -> vector<8x4096xi32>
    %swap3A = arith.constant 0 : index
    %swap3A_502 = arith.constant 0 : index
    %swap3A_503 = vector.load %arg4[%swap3A, %swap3A_502] : memref<8x4096xi32, #tpu.memory_space<vmem>>, vector<8x4096xi32>
    tpu.vector_store %arg4[%swap3A, %swap3A_502], %concatenate3A {strides = array<i32>} : memref<8x4096xi32, #tpu.memory_space<vmem>>, vector<8x4096xi32>,
    %mul3A_504 = arith.constant 2.000000e+00 : f32
    %mul3A_505 = vector.broadcast %mul3A_504 : f32 to vector<1x4096xf32>
    %mul3A_506 = arith.mulf %mul3A_505, %add3A_498 : vector<1x4096xf32>
    %sub3A_507 = arith.subf %dot_general3A_16, %mul3A_506 : vector<1x4096xf32>
    %swap3A_508 = arith.constant 0 : index
    %swap3A_509 = arith.constant 0 : index
    %swap3A_510 = vector.load %arg5[%swap3A_508, %swap3A_509] : memref<1x4096xf32, #tpu.memory_space<vmem>>, vector<1x4096xf32>
    tpu.vector_store %arg5[%swap3A_508, %swap3A_509], %sub3A_507 {strides = array<i32>} : memref<1x4096xf32, #tpu.memory_space<vmem>>, vector<1x4096xf32>,
    return
  }
  func.func @transform_0(%arg0: i32) -> (i32, i32) {
    %c0_i32 = arith.constant 0 : i32
    %c0_i32_0 = arith.constant 0 : i32
    return %arg0, %c0_i32 : i32, i32
  }
  func.func @transform_1(%arg0: i32) -> (i32, i32, i32) {
    %c0_i32 = arith.constant 0 : i32
    %c0_i32_0 = arith.constant 0 : i32
    %c0_i32_1 = arith.constant 0 : i32
    %c0_i32_2 = arith.constant 0 : i32
    return %c0_i32, %c0_i32_0, %c0_i32_1 : i32, i32, i32
  }
  func.func @transform_2(%arg0: i32) -> (i32, i32) {
    %c0_i32 = arith.constant 0 : i32
    %c0_i32_0 = arith.constant 0 : i32
    %c0_i32_1 = arith.constant 0 : i32
    return %c0_i32, %c0_i32_0 : i32, i32
  }
  func.func @transform_3(%arg0: i32) -> (i32, i32) {
    %c0_i32 = arith.constant 0 : i32
    %c0_i32_0 = arith.constant 0 : i32
    return %c0_i32, %arg0 : i32, i32
  }
  func.func @transform_4(%arg0: i32) -> (i32, i32) {
    %c0_i32 = arith.constant 0 : i32
    %c0_i32_0 = arith.constant 0 : i32
    return %c0_i32, %arg0 : i32, i32
  }
}

module attributes {stable_mosaic.version = 14 : i64} {
  func.func @_loss_body(%arg0: memref<512x128xf32, #tpu.memory_space<vmem>>, %arg1: memref<512x128xf32, #tpu.memory_space<vmem>>) attributes {dimension_semantics = [], scalar_prefetch = 0 : i64, scratch_operands = 0 : i64, tpu.core_type = #tpu.core_type<tc>} {
    %get3A = arith.constant 0 : index
    %get3A_0 = arith.constant 0 : index
    %get3A_1 = vector.load %arg0[%get3A, %get3A_0] : memref<512x128xf32, #tpu.memory_space<vmem>>, vector<512x128xf32>
    %reduce_sum3A = vector.shape_cast %get3A_1 : vector<512x128xf32> to vector<1x512x128xf32>
    %reduce_sum3A_2 = arith.constant dense<0.000000e+00> : vector<1xf32>
    %reduce_sum3A_3 = vector.multi_reduction <add>, %reduce_sum3A, %reduce_sum3A_2 [1, 2] : vector<1x512x128xf32> to vector<1xf32>
    %reduce_sum3A_4 = vector.shape_cast %reduce_sum3A_3 : vector<1xf32> to vector<1x1x1xf32>
    %reduce_sum3A_5 = vector.extract %reduce_sum3A_4[0, 0, 0] : f32 from vector<1x1x1xf32>
    %div3A = arith.constant 0x4B000000 : f32
    %div3A_6 = arith.divf %reduce_sum3A_5, %div3A : f32
    %max3A = arith.constant 0.000000e+00 : f32
    %max3A_7 = vector.broadcast %max3A : f32 to vector<512x128xf32>
    %max3A_8 = arith.maximumf %get3A_1, %max3A_7 : vector<512x128xf32>
    %sqrt3A = math.sqrt %max3A_8 : vector<512x128xf32>
    %add3A = vector.broadcast %div3A_6 : f32 to vector<512x128xf32>
    %add3A_9 = arith.addf %sqrt3A, %add3A : vector<512x128xf32>
    %swap3A = arith.constant 0 : index
    %swap3A_10 = arith.constant 0 : index
    %swap3A_11 = vector.load %arg1[%swap3A, %swap3A_10] : memref<512x128xf32, #tpu.memory_space<vmem>>, vector<512x128xf32>
    tpu.vector_store %arg1[%swap3A, %swap3A_10], %add3A_9 {strides = array<i32>} : memref<512x128xf32, #tpu.memory_space<vmem>>, vector<512x128xf32>,
    return
  }
}

</mosaic_0001>

<sc_bundles>
// kernel: kernel.5.cloned.1.call-start
scs
__scs_entry_jumppad:
0x0: {  	(pc) =	sbr.rel $0x88, $3  }
0x1: {  	(tag) =	ssettag $0x0;
	lr =	simm.s32 $0x1  }
0x2: {  	[smem:$0x3F9F] =	sst lr;
	_ =	strace $0xD0000000  }
0x3: {  	_ = 	snop  }
0x4: {  	_ = 	snop  }
0x5: {  	_ = 	snop  }
0x6: {  	_ = 	snop  }
0x7: {  	_ = 	snop  }
__scs_overlays_trampoline_lowered:
0x8: {  	[smem:$0x3FAE] =	sst s0  }
0x9: {  	[smem:$0x3FAF] =	sst s1  }
0xa: {  	[smem:$0x3FB0] =	sst s2  }
0xb: {  	[smem:$0x3FB1] =	sst s3  }
0xc: {  	[smem:$0x3FB2] =	sst s4  }
0xd: {  	[smem:$0x3FB3] =	sst s5  }
0xe: {  	[smem:$0x3FB4] =	sst s6  }
0xf: {  	[smem:$0x3FB5] =	sst s7  }
0x10: {  	[smem:$0x3FB6] =	sst s8  }
0x11: {  	[smem:$0x3FB7] =	sst s9;
	s0 =	simm.s32 @!p0 $0x0  }
0x12: {  	s1 =	sld [smem:$0x3F9D];
	s0 =	simm.s32 @p0 $0x1  }
0x13: {  	[smem:$0x3FB8] =	sst s0;
	s0 =	simm.s32 @!p1 $0x0  }
0x14: {  	s2 =	sld [smem:$0x3F9C];
	s0 =	simm.s32 @p1 $0x1  }
0x15: {  	[smem:$0x3FB9] =	sst s0;
	s0 =	simm.s32 @!p2 $0x0  }
0x16: {  	s3 =	sld [smem:$0x3FDB];
	s0 =	simm.s32 @p2 $0x1  }
0x17: {  	s4 =	simm.s32 $0x1BF5;
	[smem:$0x3FBB] =	sst s0  }
0x18: {  	s0 =	sld [smem:$0x3F9E];
	_ =	swait.ge [sflag:s4], $0x0  }
0x19: {  	s7 =	sld [smem:$0x3F9F]  }
0x1a: {  	s8 =	sadd.s32 $0xFFFFE003, lr  }
0x1b: {  	s9 =	sadd.s32 $0xFFFFFEF7, lr;
	s5 =	simm.s32 $0xFFFFFFFF;
	p2 =	slt.u32 s8, $0xFFFFF086  }
0x1c: {  	p1 =	slt.u32 s9, $0xF7A;
	s5 =	simm.s32 @!p2 $0x0  }
0x1d: {  	s5 =	simm.s32 @p1 $0x1;
	p0 =	seq.s32 s7, s2  }
0x1e: {  	s7 =	smul.u32 @!p0 $0xF7A, s2;
	p2 =	seq.s32 @!p0 s5, $0x0  }
0x1f: {  	s9 =	smul.u32 $0xF7A, s1;
	s8 =	simm.s32 @!p0 $0x1BF5;
	p2 =	por !p2, p0  }
0x20: {  	[sflag:s8] =	ssyncset.s32 @!p0 $0xFFFFF086;
	s6 =	sadd.s32 @!p0 s3, s7;
	s7 =	simm.s32 @!p0 $0x108  }
0x21: {  	s3 =	sadd.s32 s3, s9;
	s6 =	sadd.s32 @!p0 $0x88, s6;
	s7 =	simm.s32 @p2 $0x1082  }
0x22: {  	[simem:s7], [sflag:s8] =	dma.local @!p0 [hbm:s6], $0xF7A  }
0x23: {  	s9 =	sor.u32 $0xD0000000, s2;
	s6 =	simm.s32 $0x108;
	_ =	swait.ge @!p0 [sflag:s8], $0x0  }
0x24: {  	s3 =	sadd.s32 $0x88, s3;
	s6 =	simm.s32 @!p1 $0x1082;
	[sflag:s4] =	ssyncset.s32 $0xFFFFF086  }
0x25: {  	[simem:s6], [sflag:s4] =	dma.local [hbm:s3], $0xF7A  }
0x26: {  	[smem:$0x3F9F] =	sst s1;
	(tag) =	ssettag s2;
	_ =	strace s9  }
0x27: {  	s1 =	sld [smem:$0x3FAF]  }
0x28: {  	s2 =	sld [smem:$0x3FB0]  }
0x29: {  	s4 =	sld [smem:$0x3FB2]  }
0x2a: {  	p0 =	seq.s32 s5, $0x0;
	s5 =	sld [smem:$0x3FB3]  }
0x2b: {  	s6 =	sld [smem:$0x3FB4]  }
0x2c: {  	s7 =	sld [smem:$0x3FB5]  }
0x2d: {  	s3 =	simm.s32 $0x108;
	s8 =	sld [smem:$0x3FB6]  }
0x2e: {  	s3 =	simm.s32 @!p0 $0x1082;
	s9 =	sld [smem:$0x3FB7]  }
0x2f: {  	lr =	sadd.s32 s0, s3;
	s0 =	sld [smem:$0x3FAE]  }
0x30: {  	s3 =	sld [smem:$0x3FB1]  }
0x31: {  	[smem:$0x3FBA] =	sst s10  }
0x32: {  	s10 =	sld [smem:$0x3FB8];
	_ =	sdelay $0x3  }
0x33: {  	p0 =	seq.s32 s10, $0x1;
	s10 =	sld [smem:$0x3FBA];
	_ =	sdelay $0x3  }
0x34: {  	[smem:$0x3FBA] =	sst s10  }
0x35: {  	s10 =	sld [smem:$0x3FB9];
	_ =	sdelay $0x3  }
0x36: {  	p1 =	seq.s32 s10, $0x1;
	s10 =	sld [smem:$0x3FBA];
	_ =	sdelay $0x3  }
0x37: {  	[smem:$0x3FBA] =	sst s10  }
0x38: {  	s10 =	sld [smem:$0x3FBB]  }
0x39: {  	_ = 	snop;
	(pc) =	sbr.ind lr, $3  }
0x3a: {  	_ = 	snop  }
0x3b: {  	_ = 	snop  }
0x3c: {  	p2 =	seq.s32 s10, $0x1;
	s10 =	sld [smem:$0x3FBA]  }
0x3d: {  	_ =	shalt  }
0x3e: {  	_ =	shalt  }
0x3f: {  	_ =	shalt  }
0x40: {  	_ =	shalt  }
0x41: {  	_ =	shalt  }
0x42: {  	_ =	shalt  }
0x43: {  	_ =	shalt  }
0x44: {  	_ =	shalt  }
0x45: {  	_ =	shalt  }
0x46: {  	_ =	shalt  }
0x47: {  	_ =	shalt  }
0x48: {  	_ =	shalt  }
0x49: {  	_ =	shalt  }
0x4a: {  	_ =	shalt  }
0x4b: {  	_ =	shalt  }
0x4c: {  	_ =	shalt  }
0x4d: {  	_ =	shalt  }
0x4e: {  	_ =	shalt  }
0x4f: {  	_ =	shalt  }
0x50: {  	_ =	shalt  }
0x51: {  	_ =	shalt  }
0x52: {  	_ =	shalt  }
0x53: {  	_ =	shalt  }
0x54: {  	_ =	shalt  }
0x55: {  	_ =	shalt  }
0x56: {  	_ =	shalt  }
0x57: {  	_ =	shalt  }
0x58: {  	_ =	shalt  }
0x59: {  	_ =	shalt  }
0x5a: {  	_ =	shalt  }
0x5b: {  	_ =	shalt  }
0x5c: {  	_ =	shalt  }
0x5d: {  	_ =	shalt  }
0x5e: {  	_ =	shalt  }
0x5f: {  	_ =	shalt  }
0x60: {  	_ =	shalt  }
0x61: {  	_ =	shalt  }
0x62: {  	_ =	shalt  }
0x63: {  	_ =	shalt  }
0x64: {  	_ =	shalt  }
0x65: {  	_ =	shalt  }
0x66: {  	_ =	shalt  }
0x67: {  	_ =	shalt  }
0x68: {  	_ =	shalt  }
0x69: {  	_ =	shalt  }
0x6a: {  	_ =	shalt  }
0x6b: {  	_ =	shalt  }
0x6c: {  	_ =	shalt  }
0x6d: {  	_ =	shalt  }
0x6e: {  	_ =	shalt  }
0x6f: {  	_ =	shalt  }
0x70: {  	_ =	shalt  }
0x71: {  	_ =	shalt  }
0x72: {  	_ =	shalt  }
0x73: {  	_ =	shalt  }
0x74: {  	_ =	shalt  }
0x75: {  	_ =	shalt  }
0x76: {  	_ =	shalt  }
0x77: {  	_ =	shalt  }
0x78: {  	_ =	shalt  }
0x79: {  	_ =	shalt  }
0x7a: {  	_ =	shalt  }
0x7b: {  	_ =	shalt  }
0x7c: {  	_ =	shalt  }
0x7d: {  	_ =	shalt  }
0x7e: {  	_ =	shalt  }
0x7f: {  	_ =	shalt  }
0x80: {  	_ =	shalt  }
0x81: {  	_ =	shalt  }
0x82: {  	_ =	shalt  }
0x83: {  	_ =	shalt  }
0x84: {  	_ =	shalt  }
0x85: {  	_ =	shalt  }
0x86: {  	_ =	shalt  }
0x87: {  	_ =	shalt  }
.Lfunc_end0:
.L_simem_size_0:
called_computation_lowered:
.L_overlay_start_0:
0x88: {  	s2 =	sld [smem:$0x3FD9]  }
0x89: {  	s3 =	sld [smem:$0x3FFE];
	_ =	sdelay $0x1  }
0x8a: {  	s1 =	srdreg.scid  }
0x8b: {  	s0 =	sand.u32 $0x1, s1  }
0x8c: {  	s14 =	sshll.u32 s0, $0xA;
	s2 =	sadd.s32 s3, s2  }
0x8d: {  	s2 =	sadd.s32 s2, s14  }
0x8e: {  	[smem:$0x3FC6] =	sst s2  }
0x8f: {  	_ = 	snop  }
0x90: {  	s2 =	sld [smem:$0x3FD0];
	_ =	sdelay $0x2  }
0x91: {  	s15 =	simm.s32 $0xA;
	s4 =	simm.s32 $0x10  }
0x92: {  	[smem:s4], [sflag:s15] =	dma.local [hbm:s2], $0x1  }
0x93: {  	_ =	swait.eq [sflag:s15], $0x1  }
0x94: {  	[sflag:s15] =	ssyncset.done $0x0  }
0x95: {  	[sflag:s15] =	ssyncadd.s32 $0xFFFFFFFF  }
0x96: {  	s16 =	sld [smem:$0x10];
	(tm) =	ssettm $0x1  }
0x97: {  	s17 =	sld [smem:$0x3FFB];
	_ =	sdelay $0x3  }
0x98: {  	_ =	strace s17  }
0x99: {  	s3 =	sld [smem:$0x3FFC];
	_ =	sdelay $0x3  }
0x9a: {  	_ =	strace s3  }
0x9b: {  	s3 =	sld [smem:$0x3FFD];
	_ =	sdelay $0x3  }
0x9c: {  	_ =	strace s3  }
0x9d: {  	_ =	strace $0x8FFFFFFF  }
0x9e: {  	s18 =	sld [smem:$0x3FDB];
	_ =	sdelay $0x1  }
0x9f: {  	s19 =	simm.s32 $_scs_section_size  }
0xa0: {  	s5 =	simm.s32 $_size__tile_overlayer_lowered;
	s6 =	simm.s32 $_tile_overlayer_lowered  }
0xa1: {  	s22 =	simm.s32 $0x1BFF;
	s21 =	sshll.u32 s6, $0x1;
	s3 =	sadd.s32 s19, s18  }
0xa2: {  	s7 =	simm.s32 $0x0;
	s20 =	sshll.u32 s5, $0x1;
	s5 =	sadd.s32 s21, s3  }
0xa3: {  	[timem:s7], [sflag:s22] =	dma.local [hbm:s5], s20  }
0xa4: {  	_ =	swait.ge [sflag:s22], s20  }
0xa5: {  	s4 =	ssub.s32 $0x0, s20;
	[sflag:s22] =	ssyncset.done $0x0  }
0xa6: {  	[sflag:s22] =	ssyncadd.s32 s4;
	_ =	sdelay $0x1  }
0xa7: {  	s23 =	simm.s32 $0x1B8B  }
0xa8: {  	_ =	swait.ge [sflag:s23], $0x1  }
0xa9: {  	[sflag:s23] =	ssyncset.done $0x0  }
0xaa: {  	s25 =	simm.s32 $0x1B8E;
	s24 =	sld [smem:$0x3FFE];
	[sflag:s23] =	ssyncadd.s32 $0xFFFFFFFF  }
0xab: {  	s26 =	simm.s32 $execute0_lowered;
	[smem:$0x3FD2] =	sst s25  }
0xac: {  	s5 =	sshll.u32 s26, $0x1;
	_ =	strace $0x80000046;
	[dreg:$0x1] =	wrdreg $0xFFFFFFFF  }
0xad: {  	s28 =	simm.s32 $_size_execute0_lowered;
	s3 =	sadd.s32 s3, s5;
	[dreg:$0x0] =	wrdreg $0x0  }
0xae: {  	s5 =	sshll.u32 s28, $0x1;
	[dreg:$0x2] =	wrdreg s3  }
0xaf: {  	[dreg:$0x3] =	wrdreg s5  }
0xb0: {  	[dreg:$0x4] =	wrdreg $0xC0  }
0xb1: {  	_ =	task [dreg:s7], $0x5FFFF  }
0xb2: {  	[dreg:$0x1] =	wrdreg $0xFFFFFFFF  }
0xb3: {  	[dreg:$0x0] =	wrdreg $0x60  }
0xb4: {  	[dreg:$0x2] =	wrdreg s24  }
0xb5: {  	[dreg:$0x3] =	wrdreg s16  }
0xb6: {  	[dreg:$0x4] =	wrdreg $0x9  }
0xb7: {  	_ =	task.clear_ibuf [dreg:s7], $0x5FFFF;
	_ =	strace $0x90000046  }
0xb8: {  	s29 =	simm.s32 $0x9;
	_ =	strace $0x80000048  }
0xb9: {  	_ =	swait.ge [sflag:s29], $0x1  }
0xba: {  	[sflag:s29] =	ssyncadd.s32 $0xFFFFFFFF  }
0xbb: {  	_ =	strace $0x90000048  }
0xbc: {  	_ =	sfence  }
0xbd: {  	s30 =	sld [smem:$0x0];
	_ =	sdelay $0x2  }
0xbe: {  	s31 =	sshll.u32 s1, $0xD;
	s1 =	sshrl.u32 s1, $0x2  }
0xbf: {  	s3 =	sand.u32 $0x4000, s31;
	s1 =	sadd.s32 s1, s30  }
0xc0: {  	s0 =	sor.u32 s3, s0;
	s1 =	sshll.u32 s1, $0x11  }
0xc1: {  	s0 =	sor.u32 s1, s0  }
0xc2: {  	s0 =	sadd.s32 $0x8F2B, s0  }
0xc3: {  	[sflag:s0] =	ssyncadd.remote.s32 $0x1  }
0xc4: {  	_ =	sfence.sel $0xFFFF  }
0xc5: {  	[dreg:$0x0] =	wrdreg $0xFFFFFFFF;
	(pc) =	sbr.abs _section_cstart, $3  }
0xc6: {  	[dreg:$0x1] =	wrdreg $0xFFFFFFFF  }
0xc7: {  	_ =	task.clear_ibuf [dreg:s7], $0x2FFFF;
	_ =	strace $0x9FFFFFFF  }
0xc8: {  	(tm) =	ssettm $0x7FFFFFFF  }
0xc9: {  	_ =	shalt  }
tec
execute0_lowered:
.L_overlay_start_1:
0x0: {  	(tag) =	ssettag $0x1  }
0x1: {  	s0 =	rddreg [dreg:$0x0];
	v0 =	vimm.s32 $0x3801;
	vm0 =	vcmask $0x300  }
0x2: {  	s1 =	rddreg [dreg:$0x1];
	vm14 =	vcmask $0x704;
	v0 =	vsel vm0, $0x0, v0  }
0x3: {  	s2 =	simm.s32 $0x0;
	s3 =	srdreg.scid;
	s5 =	stileid.u32;
	vm15 =	vcmask $0xB08;
	v0 =	vsel vm14, $0x800, v0  }
0x4: {  	vm4 =	vcmask $0xF0C;
	s14 =	simm.s32 $0x800;
	s15 =	simm.s32 $0x10000;
	s16 =	simm.s32 $0x1;
	v0 =	vsel vm15, $0x1000, v0  }
0x5: {  	vm5 =	vcmask $0x1310;
	s17 =	simm.s32 $0x4000;
	s18 =	simm.s32 $0x8000;
	s19 =	simm.s32 $0x4800;
	v0 =	vsel vm4, $0x1800, v0  }
0x6: {  	vm6 =	vcmask $0x1714;
	s20 =	simm.s32 $0x2;
	s21 =	simm.s32 $0x4;
	s22 =	simm.s32 $0x5000;
	v0 =	vsel vm5, $0x2000, v0  }
0x7: {  	vm7 =	vcmask $0x1B18;
	s23 =	simm.s32 $0x3;
	s28 =	simm.s32 $0x6800;
	s29 =	simm.s32 $0x7000;
	v0 =	vsel vm6, $0x2800, v0  }
0x8: {  	vm8 =	vcmask $0x1F1C;
	s30 =	simm.s32 $0x7800;
	s31 =	simm.s32 $0x0;
	[smem:$0x7FF] =	sst s2;
	v0 =	vsel vm7, $0x3000, v0  }
0x9: {  	vm9 =	vcmask $0x2320;
	s4 =	sand.u32 $0x1, s3;
	s5 =	sshll.u32 s5, $0x1;
	s3 =	sadd.s32 $0x600, s0;
	v0 =	vsel vm8, $0x3800, v0  }
0xa: {  	vm10 =	vcmask $0x2724;
	_ =	strace $0x80000047;
	s5 =	sor.u32 s4, s5;
	s7 =	ssub.s32 $0x2, s4;
	v0 =	vsel vm9, $0x1, v0  }
0xb: {  	vm11 =	vcmask $0x2B28;
	s6 =	sshll.u32 s5, $0x8;
	s24 =	sshll.u32 s5, $0xF;
	s25 =	sshrl.u32 s7, $0x1;
	v0 =	vsel vm10, $0x801, v0  }
0xc: {  	vm12 =	vcmask $0x2F2C;
	s0 =	sadd.s32 s6, s0;
	s4 =	sadd.s32 s1, s24;
	s26 =	ssub.s32 s7, s25;
	v0 =	vsel vm11, $0x1001, v0  }
0xd: {  	vm13 =	vcmask $0x3330;
	s24 =	simm.s32 $0x5;
	s25 =	simm.s32 $0x5800;
	s5 =	sadd.s32 $0x1600, s0;
	v0 =	vsel vm12, $0x1801, v0  }
0xe: {  	vm14 =	vcmask $0x3734;
	s6 =	sadd.s32 $0x1000, s4;
	s7 =	sadd.s32 $0x2000, s4;
	s8 =	sadd.s32 $0x3000, s4;
	v0 =	vsel vm13, $0x2001, v0  }
0xf: {  	vm15 =	vcmask $0x3B38;
	s9 =	sadd.s32 $0x4000, s4;
	s10 =	sadd.s32 $0x5000, s4;
	s11 =	sadd.s32 $0x6000, s4;
	v0 =	vsel vm14, $0x2801, v0  }
0x10: {  	s12 =	sadd.s32 $0x7000, s4;
	s13 =	smax.u32 s26, $0x1;
	s26 =	simm.s32 $0x6000;
	v0 =	vsel vm15, $0x3001, v0  }
.LBB2_1:
0x11: {  	v1 =	vmov s2  }
0x12: {  	v1 =	vand.u32 $0x7FF, v1  }
0x13: {  	v1 =	vor.u32 v0, v1  }
0x14: {  	[tilespmem:s2], [sflag:$0x1] =	stream.strided.gather [hbm4b:s5+s14], $0x4000, s15, s14, $0x38;
	[tilespmem:$0x18000] =	vst v63  }
0x15: {  	_ =	swait.ge [sflag:s16], $0x4000  }
0x16: {  	s0 =	simm.s32 $0x2;
	[sflag:s16] =	ssyncset.done $0x0  }
0x17: {  	v2 =	vmov s0;
	[sflag:s16] =	ssyncadd.s32 $0xFFFFC000  }
0x18: {  	v2 =	vand.u32 $0x7FF, v2;
	v1 =	vld.idx.msk [tilespmem:v1+s2+$0x0], $0xffff  }
0x19: {  	v3 =	vor.u32 v0, v2;
	_ =	sdelay $0x3  }
0x1a: {  	s1 =	simm.s32 $0x4;
	[tilespmem:s17+$0x0] =	vst v1  }
0x1b: {  	s0 =	simm.s32 $0x4000;
	v2 =	vmov s1;
	s1 =	simm.s32 $0x6;
	v1 =	vld.idx.msk [tilespmem:v3+s2+$0x0], $0xffff  }
.LBB2_2:
0x1c: {  	p0 =	sne.s32 s1, $0x7FE;
	v2 =	vand.u32 $0x7FF, v2  }
0x1d: {  	v3 =	vor.u32 v0, v2  }
.Ltmp0:
0x1e: {  	(pc) =	sbr.rel @p0 .LBB2_2-.Ltmp0, $4  }
0x1f: {  	_ = 	snop  }
0x20: {  	s0 =	sadd.s32 $0x10, s0  }
0x21: {  	[tilespmem:s0+$0x0] =	vst v1  }
0x22: {  	v2 =	vmov s1;
	s1 =	sadd.s32 $0x2, s1;
	v1 =	vld.idx.msk [tilespmem:v3+s2+$0x0], $0xffff  }
0x23: {  	v2 =	vand.u32 $0x7FF, v2  }
0x24: {  	v2 =	vor.u32 v0, v2;
	_ =	sdelay $0x2  }
0x25: {  	s0 =	sadd.s32 $0x10, s0  }
0x26: {  	[tilespmem:s0+$0x0] =	vst v1  }
0x27: {  	v1 =	vld.idx.msk [tilespmem:v2+s2+$0x0], $0xffff;
	_ =	sdelay $0x3  }
0x28: {  	s0 =	sadd.s32 $0x10, s0  }
0x29: {  	[tilespmem:s0+$0x0] =	vst v1  }
0x2a: {  	[tilespmem:s18], [sflag:$0x2] =	stream.indirect.gather [hbm4b:s3+s14], $0x10, s17, s14, $0xb8;
	[tilespmem:$0x18000] =	vst v63  }
0x2b: {  	_ = 	snop  }
0x2c: {  	[tilespmem:s15], [sflag:$0x3] =	stream.indirect.gather [hbm4b:s3+s14], $0x10, s19, s14, $0xb8;
	[tilespmem:$0x18000] =	vst v63  }
0x2d: {  	_ =	swait.ge [sflag:s20], $0x8000  }
0x2e: {  	[sflag:s20] =	ssyncset.done $0x0  }
0x2f: {  	[sflag:s20] =	ssyncadd.s32 $0xFFFF8000  }
0x30: {  	[hbm4b:s4+s2] =	stream.linear.scatter [tilespmem:s18], [sflag:$0x4], $0x8000, $0x38;
	[tilespmem:$0x18000] =	vst v63  }
0x31: {  	_ =	swait.ge [sflag:s21], $0x8000  }
0x32: {  	[sflag:s21] =	ssyncset.done $0x0  }
0x33: {  	[sflag:s21] =	ssyncadd.s32 $0xFFFF8000  }
0x34: {  	[tilespmem:s18], [sflag:$0x2] =	stream.indirect.gather [hbm4b:s3+s14], $0x10, s22, s14, $0xb8;
	[tilespmem:$0x18000] =	vst v63  }
0x35: {  	_ =	swait.ge [sflag:s23], $0x8000  }
0x36: {  	[sflag:s23] =	ssyncset.done $0x0  }
0x37: {  	[sflag:s23] =	ssyncadd.s32 $0xFFFF8000  }
0x38: {  	[hbm4b:s6+s2] =	stream.linear.scatter [tilespmem:s15], [sflag:$0x5], $0x8000, $0x38;
	[tilespmem:$0x18000] =	vst v63  }
0x39: {  	_ =	swait.ge [sflag:s24], $0x8000  }
0x3a: {  	[sflag:s24] =	ssyncset.done $0x0  }
0x3b: {  	[sflag:s24] =	ssyncadd.s32 $0xFFFF8000  }
0x3c: {  	[tilespmem:s15], [sflag:$0x3] =	stream.indirect.gather [hbm4b:s3+s14], $0x10, s25, s14, $0xb8;
	[tilespmem:$0x18000] =	vst v63  }
0x3d: {  	_ =	swait.ge [sflag:s20], $0x8000  }
0x3e: {  	[sflag:s20] =	ssyncset.done $0x0  }
0x3f: {  	[sflag:s20] =	ssyncadd.s32 $0xFFFF8000  }
0x40: {  	[hbm4b:s7+s2] =	stream.linear.scatter [tilespmem:s18], [sflag:$0x4], $0x8000, $0x38;
	[tilespmem:$0x18000] =	vst v63  }
0x41: {  	_ =	swait.ge [sflag:s21], $0x8000  }
0x42: {  	[sflag:s21] =	ssyncset.done $0x0  }
0x43: {  	[sflag:s21] =	ssyncadd.s32 $0xFFFF8000  }
0x44: {  	[tilespmem:s18], [sflag:$0x2] =	stream.indirect.gather [hbm4b:s3+s14], $0x10, s26, s14, $0xb8;
	[tilespmem:$0x18000] =	vst v63  }
0x45: {  	_ =	swait.ge [sflag:s23], $0x8000  }
0x46: {  	[sflag:s23] =	ssyncset.done $0x0  }
0x47: {  	[sflag:s23] =	ssyncadd.s32 $0xFFFF8000  }
0x48: {  	[hbm4b:s8+s2] =	stream.linear.scatter [tilespmem:s15], [sflag:$0x5], $0x8000, $0x38;
	[tilespmem:$0x18000] =	vst v63  }
0x49: {  	_ =	swait.ge [sflag:s24], $0x8000  }
0x4a: {  	[sflag:s24] =	ssyncset.done $0x0  }
0x4b: {  	[sflag:s24] =	ssyncadd.s32 $0xFFFF8000  }
0x4c: {  	[tilespmem:s15], [sflag:$0x3] =	stream.indirect.gather [hbm4b:s3+s14], $0x10, s28, s14, $0xb8;
	[tilespmem:$0x18000] =	vst v63  }
0x4d: {  	_ =	swait.ge [sflag:s20], $0x8000  }
0x4e: {  	[sflag:s20] =	ssyncset.done $0x0  }
0x4f: {  	[sflag:s20] =	ssyncadd.s32 $0xFFFF8000  }
0x50: {  	[hbm4b:s9+s2] =	stream.linear.scatter [tilespmem:s18], [sflag:$0x4], $0x8000, $0x38;
	[tilespmem:$0x18000] =	vst v63  }
0x51: {  	_ =	swait.ge [sflag:s21], $0x8000  }
0x52: {  	[sflag:s21] =	ssyncset.done $0x0  }
0x53: {  	[sflag:s21] =	ssyncadd.s32 $0xFFFF8000  }
0x54: {  	[tilespmem:s18], [sflag:$0x2] =	stream.indirect.gather [hbm4b:s3+s14], $0x10, s29, s14, $0xb8;
	[tilespmem:$0x18000] =	vst v63  }
0x55: {  	_ =	swait.ge [sflag:s23], $0x8000  }
0x56: {  	[sflag:s23] =	ssyncset.done $0x0  }
0x57: {  	[sflag:s23] =	ssyncadd.s32 $0xFFFF8000  }
0x58: {  	[hbm4b:s10+s2] =	stream.linear.scatter [tilespmem:s15], [sflag:$0x5], $0x8000, $0x38;
	[tilespmem:$0x18000] =	vst v63  }
0x59: {  	_ =	swait.ge [sflag:s24], $0x8000  }
0x5a: {  	[sflag:s24] =	ssyncset.done $0x0  }
0x5b: {  	[sflag:s24] =	ssyncadd.s32 $0xFFFF8000  }
0x5c: {  	[tilespmem:s15], [sflag:$0x3] =	stream.indirect.gather [hbm4b:s3+s14], $0x10, s30, s14, $0xb8;
	[tilespmem:$0x18000] =	vst v63  }
0x5d: {  	_ =	swait.ge [sflag:s20], $0x8000  }
0x5e: {  	[sflag:s20] =	ssyncset.done $0x0  }
0x5f: {  	[sflag:s20] =	ssyncadd.s32 $0xFFFF8000  }
0x60: {  	[hbm4b:s11+s2] =	stream.linear.scatter [tilespmem:s18], [sflag:$0x4], $0x8000, $0x38;
	[tilespmem:$0x18000] =	vst v63  }
0x61: {  	_ =	swait.ge [sflag:s23], $0x8000  }
0x62: {  	[sflag:s23] =	ssyncset.done $0x0  }
0x63: {  	s31 =	sadd.s32 $0x1, s31;
	[sflag:s23] =	ssyncadd.s32 $0xFFFF8000  }
0x64: {  	[hbm4b:s12+s2] =	stream.linear.scatter [tilespmem:s15], [sflag:$0x5], $0x8000, $0x38;
	[tilespmem:$0x18000] =	vst v63  }
0x65: {  	p0 =	sne.s32 s31, s13;
	_ =	swait.ge [sflag:s21], $0x8000  }
.Ltmp1:
0x66: {  	[sflag:s21] =	ssyncset.done $0x0;
	(pc) =	sbr.rel @p0 .LBB2_1-.Ltmp1, $4  }
0x67: {  	[sflag:s21] =	ssyncadd.s32 $0xFFFF8000  }
0x68: {  	_ =	swait.ge [sflag:s24], $0x8000  }
0x69: {  	[sflag:s24] =	ssyncset.done $0x0  }
0x6a: {  	[sflag:s24] =	ssyncadd.s32 $0xFFFF8000  }
0x6b: {  	_ =	sfence.sel $0x180000  }
0x6c: {  	[bflag:$0x0] =	sbarrier.arrive $0xFFFF  }
0x6d: {  	_ =	strace $0x90000047  }
0x6e: {  	s0 =	stileid.u32;
	[bflag:$0x2] =	sbarrier.arrive $0xFFFF  }
0x6f: {  	p0 =	sne.s32 s0, $0x0;
	s0 =	rddreg [dreg:$0x2]  }
0x70: {  	s0 =	sadd.s32 @!p0 $0x100000, s0  }
0x71: {  	[sflag:s0] =	ssyncadd.tile.s32 @!p0 $0x1;
	_ =	shalt  }
.Lfunc_end2:
_tile_overlayer_lowered:
.L_overlay_start_2:
0x72: {  	(tag) =	ssettag $0x2  }
0x73: {  	s0 =	rddreg [dreg:$0x0];
	s2 =	stileid.u32  }
0x74: {  	s1 =	rddreg [dreg:$0x1];
	p0 =	sne.s32 s2, $0x0  }
0x75: {  	s3 =	rddreg [dreg:$0x2];
	[bflag:$0x3] =	sbarrier.arrive $0xFFFF;
	s2 =	simm.s32 @!p0 $0x1C06  }
0x76: {  	[timem:s3], [sflag:s2] =	dma.local @!p0 [hbm:s0], s1  }
0x77: {  	s0 =	simm.s32 @!p0 $0x6  }
0x78: {  	_ =	swait.ge @!p0 [sflag:s0], s1  }
0x79: {  	s1 =	ssub.s32 @!p0 $0x0, s1;
	[sflag:s0] =	ssyncset.done @!p0 $0x0  }
0x7a: {  	[sflag:s0] =	ssyncadd.s32 @!p0 s1  }
0x7b: {  	[bflag:$0x3] =	sbarrier.arrive $0xFFFF  }
0x7c: {  	_ =	shalt  }

</sc_bundles>
